<compile_context>
chip_gen: v7x
topology: tpu7x:2x2x1
jax: 0.10.2.dev20260603
libtpu: 0.0.44.dev20260713+nightly
codegen_flags: <defaults>
</compile_context>

<pallas_src>
import jax
import jax.numpy as jnp
from jax import lax
from jax.experimental import pallas as pl
from jax.experimental.pallas import tpu as pltpu
from jax.experimental.pallas import tpu_sc as plsc

_D = 128
_NC = 2
_NS = 16
_NW = _NC * _NS
_EPG = 16
_RPE = 8
_ATTRACT_MARGIN = 0.6
_REPEL_MARGIN = 0.0
_REG_CONST = 1e-9


def _sc_partial_dots(W, idx, B):
    bpw = B // _NW
    gpw = bpw // _EPG
    grp_rows = _EPG * _RPE

    mesh = plsc.VectorSubcoreMesh(
        core_axis_name="c", subcore_axis_name="s",
        num_cores=_NC, num_subcores=_NS)

    def body(w_hbm, idx_hbm, out_hbm, idx_v, rows0, rows1, acc_v, sem0, sem1):
        wid = lax.axis_index("s") * _NC + lax.axis_index("c")
        base = wid * bpw
        pltpu.sync_copy(idx_hbm.at[pl.ds(base * _RPE, bpw * _RPE)], idx_v)

        def gcopy(g, buf, sem):
            return pltpu.make_async_copy(
                w_hbm.at[idx_v.at[pl.ds(g * grp_rows, grp_rows)]], buf, sem)

        gcopy(0, rows0, sem0).start()
        gcopy(1, rows1, sem1).start()

        def run_group(g, rows, sem):
            gcopy(g, rows, sem).wait()

            def per_ex(e, carry):
                r = e * _RPE
                accs = None
                for j in range(_D // 16):
                    sl = pl.ds(j * 16, 16)
                    r0 = rows[r + 0, sl]
                    r1 = rows[r + 1, sl]
                    r2 = rows[r + 2, sl]
                    r3 = rows[r + 3, sl]
                    q0 = rows[r + 4, sl]
                    q1 = rows[r + 5, sl]
                    q2 = rows[r + 6, sl]
                    q3 = rows[r + 7, sl]
                    s_l = r0 + r1
                    s_r = r2 + r3
                    t_l = q0 + q1
                    t_r = q2 + q3
                    terms = (s_l * s_l, s_r * s_r, t_l * t_l, t_r * t_r,
                             s_l * s_r, s_l * t_l, s_r * t_r)
                    if accs is None:
                        accs = terms
                    else:
                        accs = tuple(a + t for a, t in zip(accs, terms))
                eg = g * _EPG + e
                for t in range(7):
                    acc_v[eg, pl.ds(t * 16, 16)] = accs[t]
                acc_v[eg, pl.ds(112, 16)] = jnp.zeros((16,), jnp.float32)
                return carry

            lax.fori_loop(0, _EPG, per_ex, 0)

            ng = g + 2

            @pl.when(ng < gpw)
            def _():
                gcopy(ng, rows, sem).start()

        def outer(t, carry):
            run_group(2 * t + 0, rows0, sem0)
            run_group(2 * t + 1, rows1, sem1)
            return carry

        lax.fori_loop(0, gpw // 2, outer, 0)
        pltpu.sync_copy(acc_v, out_hbm.at[pl.ds(base, bpw)])

    f = pl.kernel(
        body,
        out_type=jax.ShapeDtypeStruct((B, 128), jnp.float32),
        mesh=mesh,
        scratch_types=[
            pltpu.VMEM((bpw * _RPE,), jnp.int32),
            pltpu.VMEM((grp_rows, _D), jnp.float32),
            pltpu.VMEM((grp_rows, _D), jnp.float32),
            pltpu.VMEM((bpw, 128), jnp.float32),
            pltpu.SemaphoreType.DMA,
            pltpu.SemaphoreType.DMA,
        ],
    )
    return f(W, idx)


def _tc_epilogue(syn, partials):

    def body(syn_ref, x_ref, o_ref):
        x = x_ref[...]
        row_t = lax.broadcasted_iota(jnp.int32, (8, _D), 0)
        col_l = lax.broadcasted_iota(jnp.int32, (8, _D), 1)
        sel = (lax.div(col_l, 16) == row_t).astype(jnp.float32)
        dots = lax.dot_general(sel, x, (((1,), (1,)), ((), ())),
                               preferred_element_type=jnp.float32)
        ll, rr, pll, prr, lr, xl, xr = [dots[t, :] for t in range(7)]
        nl = 0.5 * jnp.sqrt(ll)
        nr = 0.5 * jnp.sqrt(rr)
        npl = 0.5 * jnp.sqrt(pll)
        npr = 0.5 * jnp.sqrt(prr)
        nlc = jnp.maximum(nl, 1e-12)
        nrc = jnp.maximum(nr, 1e-12)
        nplc = jnp.maximum(npl, 1e-12)
        nprc = jnp.maximum(npr, 1e-12)
        sim_ex = 0.25 * lr / (nlc * nrc)
        sim_nl = 0.25 * xl / (nlc * nplc)
        sim_nr = 0.25 * xr / (nrc * nprc)
        relu = lambda v: jnp.maximum(v, 0.0)
        attract = (relu(_ATTRACT_MARGIN + sim_nl - sim_ex)
                   + relu(_ATTRACT_MARGIN + sim_nr - sim_ex))
        repel = (relu(_REPEL_MARGIN - sim_nl + sim_ex)
                 + relu(_REPEL_MARGIN - sim_nr + sim_ex))
        cost = jnp.where(syn_ref[0, 0] == 0, attract, repel)
        regl = 0.25 * ll * (1.0 / nlc - 1.0) ** 2
        regr = 0.25 * rr * (1.0 / nrc - 1.0) ** 2
        reg = _REG_CONST * 0.5 * (jnp.sum(regl) + jnp.sum(regr))
        o_ref[0, 0] = jnp.sum(cost) + x.shape[0] * reg

    return pl.pallas_call(
        body,
        out_shape=jax.ShapeDtypeStruct((1, 1), jnp.float32),
        in_specs=[pl.BlockSpec(memory_space=pltpu.SMEM),
                  pl.BlockSpec(memory_space=pltpu.VMEM)],
        out_specs=pl.BlockSpec(memory_space=pltpu.SMEM),
    )(syn, partials)


def kernel(syn_or_ant_batch, examples, negative_examples, W_dynamic, W_init):
    del W_init
    B = examples.shape[0]
    idx = jnp.concatenate(
        [examples.reshape(B, 4), negative_examples.reshape(B, 4)],
        axis=1).reshape(-1)
    partials = _sc_partial_dots(W_dynamic, idx, B)
    syn = jnp.asarray(syn_or_ant_batch, jnp.int32).reshape(1, 1)
    out = _tc_epilogue(syn, partials)
    return out[0, 0]

# --- scband reference (transcript-rebuilt; emitter-appended) ---
"""Pipeline reference for scband-attract-repel-55465207660981 (READ-ONLY COPY).

The authoritative reference and input builder live on the scoring server;
editing this copy changes nothing except your own understanding.
"""

import jax, jax.numpy as jnp
import numpy as np

V = 100000
D = 128
B = 4096
L = 2
ATTRACT_MARGIN = 0.6
REPEL_MARGIN = 0.0
REG_CONST = 1e-09


def _l2_normalize(x):
    n = jnp.linalg.norm(x, axis=1, keepdims=True)
    return x / jnp.maximum(n, 1e-12)


def _example_embedding(W, idx, normalize):
    # idx: int[B, 2, L]; gather then mean over the phrase length axis
    emb = jnp.take(W, idx, axis=0)          # [B, 2, L, D]
    m = jnp.mean(emb, axis=2)               # [B, 2, D]
    left = m[:, 0, :]
    right = m[:, 1, :]
    if normalize:
        left = _l2_normalize(left)
        right = _l2_normalize(right)
    return left, right


def setup_inputs(seed: int = 0) -> dict:
    key = jax.random.key(seed)
    k1, k2, k3 = jax.random.split(key, 3)
    W = jax.random.normal(k1, (V, D), dtype=jnp.float32) * 0.1
    examples = jax.random.randint(k2, (B, 2, L), 0, V, dtype=jnp.int32)
    negative_examples = jax.random.randint(k3, (B, 2, L), 0, V, dtype=jnp.int32)
    return {
        "syn_or_ant_batch": 0,
        "examples": examples,
        "negative_examples": negative_examples,
        "W_dynamic": W,
        "W_init": jnp.array(W),
    }


def reference(syn_or_ant_batch, examples, negative_examples, W_dynamic, W_init):
    ex_l, ex_r = _example_embedding(W_dynamic, examples, True)
    neg_l, neg_r = _example_embedding(W_dynamic, negative_examples, True)

    sim_ex = jnp.sum(ex_l * ex_r, axis=1)
    sim_neg_l = jnp.sum(ex_l * neg_l, axis=1)
    sim_neg_r = jnp.sum(ex_r * neg_r, axis=1)

    attract_cost = jax.nn.relu(ATTRACT_MARGIN + sim_neg_l - sim_ex) + jax.nn.relu(ATTRACT_MARGIN + sim_neg_r - sim_ex)
    repel_cost = jax.nn.relu(REPEL_MARGIN - sim_neg_l + sim_ex) + jax.nn.relu(REPEL_MARGIN - sim_neg_r + sim_ex)
    cost = jnp.where(syn_or_ant_batch == 0, attract_cost, repel_cost)

    orig_l, orig_r = _example_embedding(W_init, examples, False)
    reg = REG_CONST * (jnp.sum((ex_l - orig_l) ** 2) / 2.0 + jnp.sum((ex_r - orig_r) ** 2) / 2.0)
    cost = cost + reg
    return jnp.sum(cost)

if __name__ == "__main__":
    import jax
    _d = setup_inputs()
    print(jax.jit(kernel)(*tuple(_d.values())))

</pallas_src>

<mosaic_0001>
#map = affine_map<(d0, d1) -> (0, 0)>
#map1 = affine_map<(d0, d1) -> (0)>
module attributes {stable_mosaic.version = 14 : i64} {
  func.func @body(%arg0: i32, %arg1: i32, %arg2: memref<100000x128xf32, #tpu.memory_space<hbm>>, %arg3: memref<32768xi32, #tpu.memory_space<hbm>>, %arg4: memref<4096x128xf32, #tpu.memory_space<hbm>>, %arg5: memref<1024xi32, #tpu.memory_space<vmem>>, %arg6: memref<128x128xf32, #tpu.memory_space<vmem>>, %arg7: memref<128x128xf32, #tpu.memory_space<vmem>>, %arg8: memref<128x128xf32, #tpu.memory_space<vmem>>, %arg9: memref<!tpu.dma_semaphore, #tpu.memory_space<semaphore_mem>>, %arg10: memref<!tpu.dma_semaphore, #tpu.memory_space<semaphore_mem>>) attributes {dimension_semantics = [#tpu.dimension_semantics<core_parallel>, #tpu.dimension_semantics<subcore_parallel>], iteration_bounds = array<i64: 2, 16>, scalar_prefetch = 0 : i64, scratch_operands = 6 : i64, tpu.core_type = #tpu.core_type<sc_vector_subcore>, window_params = [{transform_indices = #map}, {transform_indices = #map1}, {transform_indices = #map}]} {
    %mul3A = arith.constant 2 : i32
    %mul3A_0 = arith.muli %arg1, %mul3A : i32
    %add3A = arith.addi %mul3A_0, %arg0 : i32
    %mul3A_1 = arith.constant 128 : i32
    %mul3A_2 = arith.muli %add3A, %mul3A_1 : i32
    %mul3A_3 = arith.constant 8 : i32
    %mul3A_4 = arith.muli %mul3A_2, %mul3A_3 : i32
    "tpu.region"() ({
      %run_scoped3A = tpu.sem_alloc : memref<!tpu.dma_semaphore, #tpu.memory_space<semaphore_mem>>
      %dma_start3A_19 = tpu.memref_slice %arg3[%mul3A_4] : memref<32768xi32, #tpu.memory_space<hbm>> -> memref<1024xi32, #tpu.memory_space<hbm>>
      %dma_start3A_20 = tpu.memref_slice %arg3[%mul3A_4] : memref<32768xi32, #tpu.memory_space<hbm>> -> memref<1024xi32, #tpu.memory_space<hbm>>
      tpu.enqueue_dma source(%dma_start3A_20 : memref<1024xi32, #tpu.memory_space<hbm>>) target(%arg5 : memref<1024xi32, #tpu.memory_space<vmem>>) target_semaphore(%run_scoped3A : memref<!tpu.dma_semaphore, #tpu.memory_space<semaphore_mem>>)
      %dma_wait3A = tpu.memref_slice %arg3[%mul3A_4] : memref<32768xi32, #tpu.memory_space<hbm>> -> memref<1024xi32, #tpu.memory_space<hbm>>
      %dma_wait3A_21 = tpu.memref_slice %arg3[%mul3A_4] : memref<32768xi32, #tpu.memory_space<hbm>> -> memref<1024xi32, #tpu.memory_space<hbm>>
      tpu.wait_dma2 semaphore(%run_scoped3A : memref<!tpu.dma_semaphore, #tpu.memory_space<semaphore_mem>>) src(%dma_wait3A_21 : memref<1024xi32, #tpu.memory_space<hbm>>) dst(%arg5 : memref<1024xi32, #tpu.memory_space<vmem>>)
      tpu.yield
    }) : () -> ()
    %dma_start3A = arith.constant 0 : i32
    %dma_start3A_5 = tpu.memref_slice %arg5[%dma_start3A] : memref<1024xi32, #tpu.memory_space<vmem>> -> memref<128xi32, #tpu.memory_space<vmem>>
    %dma_start3A_6 = arith.constant 0 : i32
    %dma_start3A_7 = arith.constant 0 : i32
    %dma_start3A_8 = tpu.memref_slice %arg2[%dma_start3A_6, %dma_start3A_7] : memref<100000x128xf32, #tpu.memory_space<hbm>> -> memref<100000x128xf32, #tpu.memory_space<hbm>>
    tpu.enqueue_indirect_dma source(%dma_start3A_8 : memref<100000x128xf32, #tpu.memory_space<hbm>>) target(%arg6 : memref<128x128xf32, #tpu.memory_space<vmem>>) offsets(%dma_start3A_5 : memref<128xi32, #tpu.memory_space<vmem>>) semaphore(%arg9 : memref<!tpu.dma_semaphore, #tpu.memory_space<semaphore_mem>>)
    %dma_start3A_9 = arith.constant 128 : i32
    %dma_start3A_10 = tpu.memref_slice %arg5[%dma_start3A_9] : memref<1024xi32, #tpu.memory_space<vmem>> -> memref<128xi32, #tpu.memory_space<vmem>>
    %dma_start3A_11 = arith.constant 0 : i32
    %dma_start3A_12 = arith.constant 0 : i32
    %dma_start3A_13 = tpu.memref_slice %arg2[%dma_start3A_11, %dma_start3A_12] : memref<100000x128xf32, #tpu.memory_space<hbm>> -> memref<100000x128xf32, #tpu.memory_space<hbm>>
    tpu.enqueue_indirect_dma source(%dma_start3A_13 : memref<100000x128xf32, #tpu.memory_space<hbm>>) target(%arg7 : memref<128x128xf32, #tpu.memory_space<vmem>>) offsets(%dma_start3A_10 : memref<128xi32, #tpu.memory_space<vmem>>) semaphore(%arg10 : memref<!tpu.dma_semaphore, #tpu.memory_space<semaphore_mem>>)
    %scan3A = arith.constant 0 : i32
    %scan3A_14 = arith.constant 0 : i32
    %scan3A_15 = arith.constant 4 : i32
    %scan3A_16 = arith.addi %scan3A_14, %scan3A_15 : i32
    %scan3A_17 = arith.constant 1 : i32
    scf.for %scan3A_19 = %scan3A_14 to %scan3A_16 step %scan3A_17  : i32 {
      %mul3A_20 = arith.constant 2 : i32
      %mul3A_21 = arith.muli %mul3A_20, %scan3A_19 : i32
      %add3A_22 = arith.constant 0 : i32
      %add3A_23 = arith.addi %mul3A_21, %add3A_22 : i32
      %mul3A_24 = arith.constant 128 : i32
      %mul3A_25 = arith.muli %add3A_23, %mul3A_24 : i32
      %dma_wait3A = tpu.memref_slice %arg5[%mul3A_25] : memref<1024xi32, #tpu.memory_space<vmem>> -> memref<128xi32, #tpu.memory_space<vmem>>
      %dma_wait3A_26 = arith.constant 0 : i32
      %dma_wait3A_27 = arith.constant 0 : i32
      %dma_wait3A_28 = tpu.memref_slice %arg2[%dma_wait3A_26, %dma_wait3A_27] : memref<100000x128xf32, #tpu.memory_space<hbm>> -> memref<100000x128xf32, #tpu.memory_space<hbm>>
      tpu.wait_indirect_dma semaphore(%arg9 : memref<!tpu.dma_semaphore, #tpu.memory_space<semaphore_mem>>) src(%dma_wait3A_28 : memref<100000x128xf32, #tpu.memory_space<hbm>>) dst(%arg6 : memref<128x128xf32, #tpu.memory_space<vmem>>)
      %scan3A_29 = arith.constant 0 : i32
      %scan3A_30 = arith.constant 0 : i32
      %scan3A_31 = arith.constant 16 : i32
      %scan3A_32 = arith.addi %scan3A_30, %scan3A_31 : i32
      %scan3A_33 = arith.constant 1 : i32
      scf.for %scan3A_62 = %scan3A_30 to %scan3A_32 step %scan3A_33  : i32 {
        %mul3A_63 = arith.constant 8 : i32
        %mul3A_64 = arith.muli %scan3A_62, %mul3A_63 : i32
        %add3A_65 = arith.constant 0 : i32
        %add3A_66 = arith.addi %mul3A_64, %add3A_65 : i32
        %get3A = arith.index_cast %add3A_66 : i32 to index
        %get3A_67 = arith.constant 0 : index
        %get3A_68 = tpu.vector_load %arg6[%get3A, %get3A_67] {strides = array<i32>} : memref<128x128xf32, #tpu.memory_space<vmem>>, vector<1x16xf32>,
        %get3A_69 = vector.shape_cast %get3A_68 : vector<1x16xf32> to vector<16xf32>
        %add3A_70 = arith.constant 1 : i32
        %add3A_71 = arith.addi %mul3A_64, %add3A_70 : i32
        %get3A_72 = arith.index_cast %add3A_71 : i32 to index
        %get3A_73 = arith.constant 0 : index
        %get3A_74 = tpu.vector_load %arg6[%get3A_72, %get3A_73] {strides = array<i32>} : memref<128x128xf32, #tpu.memory_space<vmem>>, vector<1x16xf32>,
        %get3A_75 = vector.shape_cast %get3A_74 : vector<1x16xf32> to vector<16xf32>
        %add3A_76 = arith.constant 2 : i32
        %add3A_77 = arith.addi %mul3A_64, %add3A_76 : i32
        %get3A_78 = arith.index_cast %add3A_77 : i32 to index
        %get3A_79 = arith.constant 0 : index
        %get3A_80 = tpu.vector_load %arg6[%get3A_78, %get3A_79] {strides = array<i32>} : memref<128x128xf32, #tpu.memory_space<vmem>>, vector<1x16xf32>,
        %get3A_81 = vector.shape_cast %get3A_80 : vector<1x16xf32> to vector<16xf32>
        %add3A_82 = arith.constant 3 : i32
        %add3A_83 = arith.addi %mul3A_64, %add3A_82 : i32
        %get3A_84 = arith.index_cast %add3A_83 : i32 to index
        %get3A_85 = arith.constant 0 : index
        %get3A_86 = tpu.vector_load %arg6[%get3A_84, %get3A_85] {strides = array<i32>} : memref<128x128xf32, #tpu.memory_space<vmem>>, vector<1x16xf32>,
        %get3A_87 = vector.shape_cast %get3A_86 : vector<1x16xf32> to vector<16xf32>
        %add3A_88 = arith.constant 4 : i32
        %add3A_89 = arith.addi %mul3A_64, %add3A_88 : i32
        %get3A_90 = arith.index_cast %add3A_89 : i32 to index
        %get3A_91 = arith.constant 0 : index
        %get3A_92 = tpu.vector_load %arg6[%get3A_90, %get3A_91] {strides = array<i32>} : memref<128x128xf32, #tpu.memory_space<vmem>>, vector<1x16xf32>,
        %get3A_93 = vector.shape_cast %get3A_92 : vector<1x16xf32> to vector<16xf32>
        %add3A_94 = arith.constant 5 : i32
        %add3A_95 = arith.addi %mul3A_64, %add3A_94 : i32
        %get3A_96 = arith.index_cast %add3A_95 : i32 to index
        %get3A_97 = arith.constant 0 : index
        %get3A_98 = tpu.vector_load %arg6[%get3A_96, %get3A_97] {strides = array<i32>} : memref<128x128xf32, #tpu.memory_space<vmem>>, vector<1x16xf32>,
        %get3A_99 = vector.shape_cast %get3A_98 : vector<1x16xf32> to vector<16xf32>
        %add3A_100 = arith.constant 6 : i32
        %add3A_101 = arith.addi %mul3A_64, %add3A_100 : i32
        %get3A_102 = arith.index_cast %add3A_101 : i32 to index
        %get3A_103 = arith.constant 0 : index
        %get3A_104 = tpu.vector_load %arg6[%get3A_102, %get3A_103] {strides = array<i32>} : memref<128x128xf32, #tpu.memory_space<vmem>>, vector<1x16xf32>,
        %get3A_105 = vector.shape_cast %get3A_104 : vector<1x16xf32> to vector<16xf32>
        %add3A_106 = arith.constant 7 : i32
        %add3A_107 = arith.addi %mul3A_64, %add3A_106 : i32
        %get3A_108 = arith.index_cast %add3A_107 : i32 to index
        %get3A_109 = arith.constant 0 : index
        %get3A_110 = tpu.vector_load %arg6[%get3A_108, %get3A_109] {strides = array<i32>} : memref<128x128xf32, #tpu.memory_space<vmem>>, vector<1x16xf32>,
        %get3A_111 = vector.shape_cast %get3A_110 : vector<1x16xf32> to vector<16xf32>
        %add3A_112 = arith.addf %get3A_69, %get3A_75 : vector<16xf32>
        %add3A_113 = arith.addf %get3A_81, %get3A_87 : vector<16xf32>
        %add3A_114 = arith.addf %get3A_93, %get3A_99 : vector<16xf32>
        %add3A_115 = arith.addf %get3A_105, %get3A_111 : vector<16xf32>
        %mul3A_116 = arith.mulf %add3A_112, %add3A_112 : vector<16xf32>
        %mul3A_117 = arith.mulf %add3A_113, %add3A_113 : vector<16xf32>
        %mul3A_118 = arith.mulf %add3A_114, %add3A_114 : vector<16xf32>
        %mul3A_119 = arith.mulf %add3A_115, %add3A_115 : vector<16xf32>
        %mul3A_120 = arith.mulf %add3A_112, %add3A_113 : vector<16xf32>
        %mul3A_121 = arith.mulf %add3A_112, %add3A_114 : vector<16xf32>
        %mul3A_122 = arith.mulf %add3A_113, %add3A_115 : vector<16xf32>
        %add3A_123 = arith.constant 0 : i32
        %add3A_124 = arith.addi %mul3A_64, %add3A_123 : i32
        %get3A_125 = arith.index_cast %add3A_124 : i32 to index
        %get3A_126 = arith.constant 16 : index
        %get3A_127 = tpu.vector_load %arg6[%get3A_125, %get3A_126] {strides = array<i32>} : memref<128x128xf32, #tpu.memory_space<vmem>>, vector<1x16xf32>,
        %get3A_128 = vector.shape_cast %get3A_127 : vector<1x16xf32> to vector<16xf32>
        %add3A_129 = arith.constant 1 : i32
        %add3A_130 = arith.addi %mul3A_64, %add3A_129 : i32
        %get3A_131 = arith.index_cast %add3A_130 : i32 to index
        %get3A_132 = arith.constant 16 : index
        %get3A_133 = tpu.vector_load %arg6[%get3A_131, %get3A_132] {strides = array<i32>} : memref<128x128xf32, #tpu.memory_space<vmem>>, vector<1x16xf32>,
        %get3A_134 = vector.shape_cast %get3A_133 : vector<1x16xf32> to vector<16xf32>
        %add3A_135 = arith.constant 2 : i32
        %add3A_136 = arith.addi %mul3A_64, %add3A_135 : i32
        %get3A_137 = arith.index_cast %add3A_136 : i32 to index
        %get3A_138 = arith.constant 16 : index
        %get3A_139 = tpu.vector_load %arg6[%get3A_137, %get3A_138] {strides = array<i32>} : memref<128x128xf32, #tpu.memory_space<vmem>>, vector<1x16xf32>,
        %get3A_140 = vector.shape_cast %get3A_139 : vector<1x16xf32> to vector<16xf32>
        %add3A_141 = arith.constant 3 : i32
        %add3A_142 = arith.addi %mul3A_64, %add3A_141 : i32
        %get3A_143 = arith.index_cast %add3A_142 : i32 to index
        %get3A_144 = arith.constant 16 : index
        %get3A_145 = tpu.vector_load %arg6[%get3A_143, %get3A_144] {strides = array<i32>} : memref<128x128xf32, #tpu.memory_space<vmem>>, vector<1x16xf32>,
        %get3A_146 = vector.shape_cast %get3A_145 : vector<1x16xf32> to vector<16xf32>
        %add3A_147 = arith.constant 4 : i32
        %add3A_148 = arith.addi %mul3A_64, %add3A_147 : i32
        %get3A_149 = arith.index_cast %add3A_148 : i32 to index
        %get3A_150 = arith.constant 16 : index
        %get3A_151 = tpu.vector_load %arg6[%get3A_149, %get3A_150] {strides = array<i32>} : memref<128x128xf32, #tpu.memory_space<vmem>>, vector<1x16xf32>,
        %get3A_152 = vector.shape_cast %get3A_151 : vector<1x16xf32> to vector<16xf32>
        %add3A_153 = arith.constant 5 : i32
        %add3A_154 = arith.addi %mul3A_64, %add3A_153 : i32
        %get3A_155 = arith.index_cast %add3A_154 : i32 to index
        %get3A_156 = arith.constant 16 : index
        %get3A_157 = tpu.vector_load %arg6[%get3A_155, %get3A_156] {strides = array<i32>} : memref<128x128xf32, #tpu.memory_space<vmem>>, vector<1x16xf32>,
        %get3A_158 = vector.shape_cast %get3A_157 : vector<1x16xf32> to vector<16xf32>
        %add3A_159 = arith.constant 6 : i32
        %add3A_160 = arith.addi %mul3A_64, %add3A_159 : i32
        %get3A_161 = arith.index_cast %add3A_160 : i32 to index
        %get3A_162 = arith.constant 16 : index
        %get3A_163 = tpu.vector_load %arg6[%get3A_161, %get3A_162] {strides = array<i32>} : memref<128x128xf32, #tpu.memory_space<vmem>>, vector<1x16xf32>,
        %get3A_164 = vector.shape_cast %get3A_163 : vector<1x16xf32> to vector<16xf32>
        %add3A_165 = arith.constant 7 : i32
        %add3A_166 = arith.addi %mul3A_64, %add3A_165 : i32
        %get3A_167 = arith.index_cast %add3A_166 : i32 to index
        %get3A_168 = arith.constant 16 : index
        %get3A_169 = tpu.vector_load %arg6[%get3A_167, %get3A_168] {strides = array<i32>} : memref<128x128xf32, #tpu.memory_space<vmem>>, vector<1x16xf32>,
        %get3A_170 = vector.shape_cast %get3A_169 : vector<1x16xf32> to vector<16xf32>
        %add3A_171 = arith.addf %get3A_128, %get3A_134 : vector<16xf32>
        %add3A_172 = arith.addf %get3A_140, %get3A_146 : vector<16xf32>
        %add3A_173 = arith.addf %get3A_152, %get3A_158 : vector<16xf32>
        %add3A_174 = arith.addf %get3A_164, %get3A_170 : vector<16xf32>
        %mul3A_175 = arith.mulf %add3A_171, %add3A_171 : vector<16xf32>
        %mul3A_176 = arith.mulf %add3A_172, %add3A_172 : vector<16xf32>
        %mul3A_177 = arith.mulf %add3A_173, %add3A_173 : vector<16xf32>
        %mul3A_178 = arith.mulf %add3A_174, %add3A_174 : vector<16xf32>
        %mul3A_179 = arith.mulf %add3A_171, %add3A_172 : vector<16xf32>
        %mul3A_180 = arith.mulf %add3A_171, %add3A_173 : vector<16xf32>
        %mul3A_181 = arith.mulf %add3A_172, %add3A_174 : vector<16xf32>
        %add3A_182 = arith.addf %mul3A_116, %mul3A_175 : vector<16xf32>
        %add3A_183 = arith.addf %mul3A_117, %mul3A_176 : vector<16xf32>
        %add3A_184 = arith.addf %mul3A_118, %mul3A_177 : vector<16xf32>
        %add3A_185 = arith.addf %mul3A_119, %mul3A_178 : vector<16xf32>
        %add3A_186 = arith.addf %mul3A_120, %mul3A_179 : vector<16xf32>
        %add3A_187 = arith.addf %mul3A_121, %mul3A_180 : vector<16xf32>
        %add3A_188 = arith.addf %mul3A_122, %mul3A_181 : vector<16xf32>
        %add3A_189 = arith.constant 0 : i32
        %add3A_190 = arith.addi %mul3A_64, %add3A_189 : i32
        %get3A_191 = arith.index_cast %add3A_190 : i32 to index
        %get3A_192 = arith.constant 32 : index
        %get3A_193 = tpu.vector_load %arg6[%get3A_191, %get3A_192] {strides = array<i32>} : memref<128x128xf32, #tpu.memory_space<vmem>>, vector<1x16xf32>,
        %get3A_194 = vector.shape_cast %get3A_193 : vector<1x16xf32> to vector<16xf32>
        %add3A_195 = arith.constant 1 : i32
        %add3A_196 = arith.addi %mul3A_64, %add3A_195 : i32
        %get3A_197 = arith.index_cast %add3A_196 : i32 to index
        %get3A_198 = arith.constant 32 : index
        %get3A_199 = tpu.vector_load %arg6[%get3A_197, %get3A_198] {strides = array<i32>} : memref<128x128xf32, #tpu.memory_space<vmem>>, vector<1x16xf32>,
        %get3A_200 = vector.shape_cast %get3A_199 : vector<1x16xf32> to vector<16xf32>
        %add3A_201 = arith.constant 2 : i32
        %add3A_202 = arith.addi %mul3A_64, %add3A_201 : i32
        %get3A_203 = arith.index_cast %add3A_202 : i32 to index
        %get3A_204 = arith.constant 32 : index
        %get3A_205 = tpu.vector_load %arg6[%get3A_203, %get3A_204] {strides = array<i32>} : memref<128x128xf32, #tpu.memory_space<vmem>>, vector<1x16xf32>,
        %get3A_206 = vector.shape_cast %get3A_205 : vector<1x16xf32> to vector<16xf32>
        %add3A_207 = arith.constant 3 : i32
        %add3A_208 = arith.addi %mul3A_64, %add3A_207 : i32
        %get3A_209 = arith.index_cast %add3A_208 : i32 to index
        %get3A_210 = arith.constant 32 : index
        %get3A_211 = tpu.vector_load %arg6[%get3A_209, %get3A_210] {strides = array<i32>} : memref<128x128xf32, #tpu.memory_space<vmem>>, vector<1x16xf32>,
        %get3A_212 = vector.shape_cast %get3A_211 : vector<1x16xf32> to vector<16xf32>
        %add3A_213 = arith.constant 4 : i32
        %add3A_214 = arith.addi %mul3A_64, %add3A_213 : i32
        %get3A_215 = arith.index_cast %add3A_214 : i32 to index
        %get3A_216 = arith.constant 32 : index
        %get3A_217 = tpu.vector_load %arg6[%get3A_215, %get3A_216] {strides = array<i32>} : memref<128x128xf32, #tpu.memory_space<vmem>>, vector<1x16xf32>,
        %get3A_218 = vector.shape_cast %get3A_217 : vector<1x16xf32> to vector<16xf32>
        %add3A_219 = arith.constant 5 : i32
        %add3A_220 = arith.addi %mul3A_64, %add3A_219 : i32
        %get3A_221 = arith.index_cast %add3A_220 : i32 to index
        %get3A_222 = arith.constant 32 : index
        %get3A_223 = tpu.vector_load %arg6[%get3A_221, %get3A_222] {strides = array<i32>} : memref<128x128xf32, #tpu.memory_space<vmem>>, vector<1x16xf32>,
        %get3A_224 = vector.shape_cast %get3A_223 : vector<1x16xf32> to vector<16xf32>
        %add3A_225 = arith.constant 6 : i32
        %add3A_226 = arith.addi %mul3A_64, %add3A_225 : i32
        %get3A_227 = arith.index_cast %add3A_226 : i32 to index
        %get3A_228 = arith.constant 32 : index
        %get3A_229 = tpu.vector_load %arg6[%get3A_227, %get3A_228] {strides = array<i32>} : memref<128x128xf32, #tpu.memory_space<vmem>>, vector<1x16xf32>,
        %get3A_230 = vector.shape_cast %get3A_229 : vector<1x16xf32> to vector<16xf32>
        %add3A_231 = arith.constant 7 : i32
        %add3A_232 = arith.addi %mul3A_64, %add3A_231 : i32
        %get3A_233 = arith.index_cast %add3A_232 : i32 to index
        %get3A_234 = arith.constant 32 : index
        %get3A_235 = tpu.vector_load %arg6[%get3A_233, %get3A_234] {strides = array<i32>} : memref<128x128xf32, #tpu.memory_space<vmem>>, vector<1x16xf32>,
        %get3A_236 = vector.shape_cast %get3A_235 : vector<1x16xf32> to vector<16xf32>
        %add3A_237 = arith.addf %get3A_194, %get3A_200 : vector<16xf32>
        %add3A_238 = arith.addf %get3A_206, %get3A_212 : vector<16xf32>
        %add3A_239 = arith.addf %get3A_218, %get3A_224 : vector<16xf32>
        %add3A_240 = arith.addf %get3A_230, %get3A_236 : vector<16xf32>
        %mul3A_241 = arith.mulf %add3A_237, %add3A_237 : vector<16xf32>
        %mul3A_242 = arith.mulf %add3A_238, %add3A_238 : vector<16xf32>
        %mul3A_243 = arith.mulf %add3A_239, %add3A_239 : vector<16xf32>
        %mul3A_244 = arith.mulf %add3A_240, %add3A_240 : vector<16xf32>
        %mul3A_245 = arith.mulf %add3A_237, %add3A_238 : vector<16xf32>
        %mul3A_246 = arith.mulf %add3A_237, %add3A_239 : vector<16xf32>
        %mul3A_247 = arith.mulf %add3A_238, %add3A_240 : vector<16xf32>
        %add3A_248 = arith.addf %add3A_182, %mul3A_241 : vector<16xf32>
        %add3A_249 = arith.addf %add3A_183, %mul3A_242 : vector<16xf32>
        %add3A_250 = arith.addf %add3A_184, %mul3A_243 : vector<16xf32>
        %add3A_251 = arith.addf %add3A_185, %mul3A_244 : vector<16xf32>
        %add3A_252 = arith.addf %add3A_186, %mul3A_245 : vector<16xf32>
        %add3A_253 = arith.addf %add3A_187, %mul3A_246 : vector<16xf32>
        %add3A_254 = arith.addf %add3A_188, %mul3A_247 : vector<16xf32>
        %add3A_255 = arith.constant 0 : i32
        %add3A_256 = arith.addi %mul3A_64, %add3A_255 : i32
        %get3A_257 = arith.index_cast %add3A_256 : i32 to index
        %get3A_258 = arith.constant 48 : index
        %get3A_259 = tpu.vector_load %arg6[%get3A_257, %get3A_258] {strides = array<i32>} : memref<128x128xf32, #tpu.memory_space<vmem>>, vector<1x16xf32>,
        %get3A_260 = vector.shape_cast %get3A_259 : vector<1x16xf32> to vector<16xf32>
        %add3A_261 = arith.constant 1 : i32
        %add3A_262 = arith.addi %mul3A_64, %add3A_261 : i32
        %get3A_263 = arith.index_cast %add3A_262 : i32 to index
        %get3A_264 = arith.constant 48 : index
        %get3A_265 = tpu.vector_load %arg6[%get3A_263, %get3A_264] {strides = array<i32>} : memref<128x128xf32, #tpu.memory_space<vmem>>, vector<1x16xf32>,
        %get3A_266 = vector.shape_cast %get3A_265 : vector<1x16xf32> to vector<16xf32>
        %add3A_267 = arith.constant 2 : i32
        %add3A_268 = arith.addi %mul3A_64, %add3A_267 : i32
        %get3A_269 = arith.index_cast %add3A_268 : i32 to index
        %get3A_270 = arith.constant 48 : index
        %get3A_271 = tpu.vector_load %arg6[%get3A_269, %get3A_270] {strides = array<i32>} : memref<128x128xf32, #tpu.memory_space<vmem>>, vector<1x16xf32>,
        %get3A_272 = vector.shape_cast %get3A_271 : vector<1x16xf32> to vector<16xf32>
        %add3A_273 = arith.constant 3 : i32
        %add3A_274 = arith.addi %mul3A_64, %add3A_273 : i32
        %get3A_275 = arith.index_cast %add3A_274 : i32 to index
        %get3A_276 = arith.constant 48 : index
        %get3A_277 = tpu.vector_load %arg6[%get3A_275, %get3A_276] {strides = array<i32>} : memref<128x128xf32, #tpu.memory_space<vmem>>, vector<1x16xf32>,
        %get3A_278 = vector.shape_cast %get3A_277 : vector<1x16xf32> to vector<16xf32>
        %add3A_279 = arith.constant 4 : i32
        %add3A_280 = arith.addi %mul3A_64, %add3A_279 : i32
        %get3A_281 = arith.index_cast %add3A_280 : i32 to index
        %get3A_282 = arith.constant 48 : index
        %get3A_283 = tpu.vector_load %arg6[%get3A_281, %get3A_282] {strides = array<i32>} : memref<128x128xf32, #tpu.memory_space<vmem>>, vector<1x16xf32>,
        %get3A_284 = vector.shape_cast %get3A_283 : vector<1x16xf32> to vector<16xf32>
        %add3A_285 = arith.constant 5 : i32
        %add3A_286 = arith.addi %mul3A_64, %add3A_285 : i32
        %get3A_287 = arith.index_cast %add3A_286 : i32 to index
        %get3A_288 = arith.constant 48 : index
        %get3A_289 = tpu.vector_load %arg6[%get3A_287, %get3A_288] {strides = array<i32>} : memref<128x128xf32, #tpu.memory_space<vmem>>, vector<1x16xf32>,
        %get3A_290 = vector.shape_cast %get3A_289 : vector<1x16xf32> to vector<16xf32>
        %add3A_291 = arith.constant 6 : i32
        %add3A_292 = arith.addi %mul3A_64, %add3A_291 : i32
        %get3A_293 = arith.index_cast %add3A_292 : i32 to index
        %get3A_294 = arith.constant 48 : index
        %get3A_295 = tpu.vector_load %arg6[%get3A_293, %get3A_294] {strides = array<i32>} : memref<128x128xf32, #tpu.memory_space<vmem>>, vector<1x16xf32>,
        %get3A_296 = vector.shape_cast %get3A_295 : vector<1x16xf32> to vector<16xf32>
        %add3A_297 = arith.constant 7 : i32
        %add3A_298 = arith.addi %mul3A_64, %add3A_297 : i32
        %get3A_299 = arith.index_cast %add3A_298 : i32 to index
        %get3A_300 = arith.constant 48 : index
        %get3A_301 = tpu.vector_load %arg6[%get3A_299, %get3A_300] {strides = array<i32>} : memref<128x128xf32, #tpu.memory_space<vmem>>, vector<1x16xf32>,
        %get3A_302 = vector.shape_cast %get3A_301 : vector<1x16xf32> to vector<16xf32>
        %add3A_303 = arith.addf %get3A_260, %get3A_266 : vector<16xf32>
        %add3A_304 = arith.addf %get3A_272, %get3A_278 : vector<16xf32>
        %add3A_305 = arith.addf %get3A_284, %get3A_290 : vector<16xf32>
        %add3A_306 = arith.addf %get3A_296, %get3A_302 : vector<16xf32>
        %mul3A_307 = arith.mulf %add3A_303, %add3A_303 : vector<16xf32>
        %mul3A_308 = arith.mulf %add3A_304, %add3A_304 : vector<16xf32>
        %mul3A_309 = arith.mulf %add3A_305, %add3A_305 : vector<16xf32>
        %mul3A_310 = arith.mulf %add3A_306, %add3A_306 : vector<16xf32>
        %mul3A_311 = arith.mulf %add3A_303, %add3A_304 : vector<16xf32>
        %mul3A_312 = arith.mulf %add3A_303, %add3A_305 : vector<16xf32>
        %mul3A_313 = arith.mulf %add3A_304, %add3A_306 : vector<16xf32>
        %add3A_314 = arith.addf %add3A_248, %mul3A_307 : vector<16xf32>
        %add3A_315 = arith.addf %add3A_249, %mul3A_308 : vector<16xf32>
        %add3A_316 = arith.addf %add3A_250, %mul3A_309 : vector<16xf32>
        %add3A_317 = arith.addf %add3A_251, %mul3A_310 : vector<16xf32>
        %add3A_318 = arith.addf %add3A_252, %mul3A_311 : vector<16xf32>
        %add3A_319 = arith.addf %add3A_253, %mul3A_312 : vector<16xf32>
        %add3A_320 = arith.addf %add3A_254, %mul3A_313 : vector<16xf32>
        %add3A_321 = arith.constant 0 : i32
        %add3A_322 = arith.addi %mul3A_64, %add3A_321 : i32
        %get3A_323 = arith.index_cast %add3A_322 : i32 to index
        %get3A_324 = arith.constant 64 : index
        %get3A_325 = tpu.vector_load %arg6[%get3A_323, %get3A_324] {strides = array<i32>} : memref<128x128xf32, #tpu.memory_space<vmem>>, vector<1x16xf32>,
        %get3A_326 = vector.shape_cast %get3A_325 : vector<1x16xf32> to vector<16xf32>
        %add3A_327 = arith.constant 1 : i32
        %add3A_328 = arith.addi %mul3A_64, %add3A_327 : i32
        %get3A_329 = arith.index_cast %add3A_328 : i32 to index
        %get3A_330 = arith.constant 64 : index
        %get3A_331 = tpu.vector_load %arg6[%get3A_329, %get3A_330] {strides = array<i32>} : memref<128x128xf32, #tpu.memory_space<vmem>>, vector<1x16xf32>,
        %get3A_332 = vector.shape_cast %get3A_331 : vector<1x16xf32> to vector<16xf32>
        %add3A_333 = arith.constant 2 : i32
        %add3A_334 = arith.addi %mul3A_64, %add3A_333 : i32
        %get3A_335 = arith.index_cast %add3A_334 : i32 to index
        %get3A_336 = arith.constant 64 : index
        %get3A_337 = tpu.vector_load %arg6[%get3A_335, %get3A_336] {strides = array<i32>} : memref<128x128xf32, #tpu.memory_space<vmem>>, vector<1x16xf32>,
        %get3A_338 = vector.shape_cast %get3A_337 : vector<1x16xf32> to vector<16xf32>
        %add3A_339 = arith.constant 3 : i32
        %add3A_340 = arith.addi %mul3A_64, %add3A_339 : i32
        %get3A_341 = arith.index_cast %add3A_340 : i32 to index
        %get3A_342 = arith.constant 64 : index
        %get3A_343 = tpu.vector_load %arg6[%get3A_341, %get3A_342] {strides = array<i32>} : memref<128x128xf32, #tpu.memory_space<vmem>>, vector<1x16xf32>,
        %get3A_344 = vector.shape_cast %get3A_343 : vector<1x16xf32> to vector<16xf32>
        %add3A_345 = arith.constant 4 : i32
        %add3A_346 = arith.addi %mul3A_64, %add3A_345 : i32
        %get3A_347 = arith.index_cast %add3A_346 : i32 to index
        %get3A_348 = arith.constant 64 : index
        %get3A_349 = tpu.vector_load %arg6[%get3A_347, %get3A_348] {strides = array<i32>} : memref<128x128xf32, #tpu.memory_space<vmem>>, vector<1x16xf32>,
        %get3A_350 = vector.shape_cast %get3A_349 : vector<1x16xf32> to vector<16xf32>
        %add3A_351 = arith.constant 5 : i32
        %add3A_352 = arith.addi %mul3A_64, %add3A_351 : i32
        %get3A_353 = arith.index_cast %add3A_352 : i32 to index
        %get3A_354 = arith.constant 64 : index
        %get3A_355 = tpu.vector_load %arg6[%get3A_353, %get3A_354] {strides = array<i32>} : memref<128x128xf32, #tpu.memory_space<vmem>>, vector<1x16xf32>,
        %get3A_356 = vector.shape_cast %get3A_355 : vector<1x16xf32> to vector<16xf32>
        %add3A_357 = arith.constant 6 : i32
        %add3A_358 = arith.addi %mul3A_64, %add3A_357 : i32
        %get3A_359 = arith.index_cast %add3A_358 : i32 to index
        %get3A_360 = arith.constant 64 : index
        %get3A_361 = tpu.vector_load %arg6[%get3A_359, %get3A_360] {strides = array<i32>} : memref<128x128xf32, #tpu.memory_space<vmem>>, vector<1x16xf32>,
        %get3A_362 = vector.shape_cast %get3A_361 : vector<1x16xf32> to vector<16xf32>
        %add3A_363 = arith.constant 7 : i32
        %add3A_364 = arith.addi %mul3A_64, %add3A_363 : i32
        %get3A_365 = arith.index_cast %add3A_364 : i32 to index
        %get3A_366 = arith.constant 64 : index
        %get3A_367 = tpu.vector_load %arg6[%get3A_365, %get3A_366] {strides = array<i32>} : memref<128x128xf32, #tpu.memory_space<vmem>>, vector<1x16xf32>,
        %get3A_368 = vector.shape_cast %get3A_367 : vector<1x16xf32> to vector<16xf32>
        %add3A_369 = arith.addf %get3A_326, %get3A_332 : vector<16xf32>
        %add3A_370 = arith.addf %get3A_338, %get3A_344 : vector<16xf32>
        %add3A_371 = arith.addf %get3A_350, %get3A_356 : vector<16xf32>
        %add3A_372 = arith.addf %get3A_362, %get3A_368 : vector<16xf32>
        %mul3A_373 = arith.mulf %add3A_369, %add3A_369 : vector<16xf32>
        %mul3A_374 = arith.mulf %add3A_370, %add3A_370 : vector<16xf32>
        %mul3A_375 = arith.mulf %add3A_371, %add3A_371 : vector<16xf32>
        %mul3A_376 = arith.mulf %add3A_372, %add3A_372 : vector<16xf32>
        %mul3A_377 = arith.mulf %add3A_369, %add3A_370 : vector<16xf32>
        %mul3A_378 = arith.mulf %add3A_369, %add3A_371 : vector<16xf32>
        %mul3A_379 = arith.mulf %add3A_370, %add3A_372 : vector<16xf32>
        %add3A_380 = arith.addf %add3A_314, %mul3A_373 : vector<16xf32>
        %add3A_381 = arith.addf %add3A_315, %mul3A_374 : vector<16xf32>
        %add3A_382 = arith.addf %add3A_316, %mul3A_375 : vector<16xf32>
        %add3A_383 = arith.addf %add3A_317, %mul3A_376 : vector<16xf32>
        %add3A_384 = arith.addf %add3A_318, %mul3A_377 : vector<16xf32>
        %add3A_385 = arith.addf %add3A_319, %mul3A_378 : vector<16xf32>
        %add3A_386 = arith.addf %add3A_320, %mul3A_379 : vector<16xf32>
        %add3A_387 = arith.constant 0 : i32
        %add3A_388 = arith.addi %mul3A_64, %add3A_387 : i32
        %get3A_389 = arith.index_cast %add3A_388 : i32 to index
        %get3A_390 = arith.constant 80 : index
        %get3A_391 = tpu.vector_load %arg6[%get3A_389, %get3A_390] {strides = array<i32>} : memref<128x128xf32, #tpu.memory_space<vmem>>, vector<1x16xf32>,
        %get3A_392 = vector.shape_cast %get3A_391 : vector<1x16xf32> to vector<16xf32>
        %add3A_393 = arith.constant 1 : i32
        %add3A_394 = arith.addi %mul3A_64, %add3A_393 : i32
        %get3A_395 = arith.index_cast %add3A_394 : i32 to index
        %get3A_396 = arith.constant 80 : index
        %get3A_397 = tpu.vector_load %arg6[%get3A_395, %get3A_396] {strides = array<i32>} : memref<128x128xf32, #tpu.memory_space<vmem>>, vector<1x16xf32>,
        %get3A_398 = vector.shape_cast %get3A_397 : vector<1x16xf32> to vector<16xf32>
        %add3A_399 = arith.constant 2 : i32
        %add3A_400 = arith.addi %mul3A_64, %add3A_399 : i32
        %get3A_401 = arith.index_cast %add3A_400 : i32 to index
        %get3A_402 = arith.constant 80 : index
        %get3A_403 = tpu.vector_load %arg6[%get3A_401, %get3A_402] {strides = array<i32>} : memref<128x128xf32, #tpu.memory_space<vmem>>, vector<1x16xf32>,
        %get3A_404 = vector.shape_cast %get3A_403 : vector<1x16xf32> to vector<16xf32>
        %add3A_405 = arith.constant 3 : i32
        %add3A_406 = arith.addi %mul3A_64, %add3A_405 : i32
        %get3A_407 = arith.index_cast %add3A_406 : i32 to index
        %get3A_408 = arith.constant 80 : index
        %get3A_409 = tpu.vector_load %arg6[%get3A_407, %get3A_408] {strides = array<i32>} : memref<128x128xf32, #tpu.memory_space<vmem>>, vector<1x16xf32>,
        %get3A_410 = vector.shape_cast %get3A_409 : vector<1x16xf32> to vector<16xf32>
        %add3A_411 = arith.constant 4 : i32
        %add3A_412 = arith.addi %mul3A_64, %add3A_411 : i32
        %get3A_413 = arith.index_cast %add3A_412 : i32 to index
        %get3A_414 = arith.constant 80 : index
        %get3A_415 = tpu.vector_load %arg6[%get3A_413, %get3A_414] {strides = array<i32>} : memref<128x128xf32, #tpu.memory_space<vmem>>, vector<1x16xf32>,
        %get3A_416 = vector.shape_cast %get3A_415 : vector<1x16xf32> to vector<16xf32>
        %add3A_417 = arith.constant 5 : i32
        %add3A_418 = arith.addi %mul3A_64, %add3A_417 : i32
        %get3A_419 = arith.index_cast %add3A_418 : i32 to index
        %get3A_420 = arith.constant 80 : index
        %get3A_421 = tpu.vector_load %arg6[%get3A_419, %get3A_420] {strides = array<i32>} : memref<128x128xf32, #tpu.memory_space<vmem>>, vector<1x16xf32>,
        %get3A_422 = vector.shape_cast %get3A_421 : vector<1x16xf32> to vector<16xf32>
        %add3A_423 = arith.constant 6 : i32
        %add3A_424 = arith.addi %mul3A_64, %add3A_423 : i32
        %get3A_425 = arith.index_cast %add3A_424 : i32 to index
        %get3A_426 = arith.constant 80 : index
        %get3A_427 = tpu.vector_load %arg6[%get3A_425, %get3A_426] {strides = array<i32>} : memref<128x128xf32, #tpu.memory_space<vmem>>, vector<1x16xf32>,
        %get3A_428 = vector.shape_cast %get3A_427 : vector<1x16xf32> to vector<16xf32>
        %add3A_429 = arith.constant 7 : i32
        %add3A_430 = arith.addi %mul3A_64, %add3A_429 : i32
        %get3A_431 = arith.index_cast %add3A_430 : i32 to index
        %get3A_432 = arith.constant 80 : index
        %get3A_433 = tpu.vector_load %arg6[%get3A_431, %get3A_432] {strides = array<i32>} : memref<128x128xf32, #tpu.memory_space<vmem>>, vector<1x16xf32>,
        %get3A_434 = vector.shape_cast %get3A_433 : vector<1x16xf32> to vector<16xf32>
        %add3A_435 = arith.addf %get3A_392, %get3A_398 : vector<16xf32>
        %add3A_436 = arith.addf %get3A_404, %get3A_410 : vector<16xf32>
        %add3A_437 = arith.addf %get3A_416, %get3A_422 : vector<16xf32>
        %add3A_438 = arith.addf %get3A_428, %get3A_434 : vector<16xf32>
        %mul3A_439 = arith.mulf %add3A_435, %add3A_435 : vector<16xf32>
        %mul3A_440 = arith.mulf %add3A_436, %add3A_436 : vector<16xf32>
        %mul3A_441 = arith.mulf %add3A_437, %add3A_437 : vector<16xf32>
        %mul3A_442 = arith.mulf %add3A_438, %add3A_438 : vector<16xf32>
        %mul3A_443 = arith.mulf %add3A_435, %add3A_436 : vector<16xf32>
        %mul3A_444 = arith.mulf %add3A_435, %add3A_437 : vector<16xf32>
        %mul3A_445 = arith.mulf %add3A_436, %add3A_438 : vector<16xf32>
        %add3A_446 = arith.addf %add3A_380, %mul3A_439 : vector<16xf32>
        %add3A_447 = arith.addf %add3A_381, %mul3A_440 : vector<16xf32>
        %add3A_448 = arith.addf %add3A_382, %mul3A_441 : vector<16xf32>
        %add3A_449 = arith.addf %add3A_383, %mul3A_442 : vector<16xf32>
        %add3A_450 = arith.addf %add3A_384, %mul3A_443 : vector<16xf32>
        %add3A_451 = arith.addf %add3A_385, %mul3A_444 : vector<16xf32>
        %add3A_452 = arith.addf %add3A_386, %mul3A_445 : vector<16xf32>
        %add3A_453 = arith.constant 0 : i32
        %add3A_454 = arith.addi %mul3A_64, %add3A_453 : i32
        %get3A_455 = arith.index_cast %add3A_454 : i32 to index
        %get3A_456 = arith.constant 96 : index
        %get3A_457 = tpu.vector_load %arg6[%get3A_455, %get3A_456] {strides = array<i32>} : memref<128x128xf32, #tpu.memory_space<vmem>>, vector<1x16xf32>,
        %get3A_458 = vector.shape_cast %get3A_457 : vector<1x16xf32> to vector<16xf32>
        %add3A_459 = arith.constant 1 : i32
        %add3A_460 = arith.addi %mul3A_64, %add3A_459 : i32
        %get3A_461 = arith.index_cast %add3A_460 : i32 to index
        %get3A_462 = arith.constant 96 : index
        %get3A_463 = tpu.vector_load %arg6[%get3A_461, %get3A_462] {strides = array<i32>} : memref<128x128xf32, #tpu.memory_space<vmem>>, vector<1x16xf32>,
        %get3A_464 = vector.shape_cast %get3A_463 : vector<1x16xf32> to vector<16xf32>
        %add3A_465 = arith.constant 2 : i32
        %add3A_466 = arith.addi %mul3A_64, %add3A_465 : i32
        %get3A_467 = arith.index_cast %add3A_466 : i32 to index
        %get3A_468 = arith.constant 96 : index
        %get3A_469 = tpu.vector_load %arg6[%get3A_467, %get3A_468] {strides = array<i32>} : memref<128x128xf32, #tpu.memory_space<vmem>>, vector<1x16xf32>,
        %get3A_470 = vector.shape_cast %get3A_469 : vector<1x16xf32> to vector<16xf32>
        %add3A_471 = arith.constant 3 : i32
        %add3A_472 = arith.addi %mul3A_64, %add3A_471 : i32
        %get3A_473 = arith.index_cast %add3A_472 : i32 to index
        %get3A_474 = arith.constant 96 : index
        %get3A_475 = tpu.vector_load %arg6[%get3A_473, %get3A_474] {strides = array<i32>} : memref<128x128xf32, #tpu.memory_space<vmem>>, vector<1x16xf32>,
        %get3A_476 = vector.shape_cast %get3A_475 : vector<1x16xf32> to vector<16xf32>
        %add3A_477 = arith.constant 4 : i32
        %add3A_478 = arith.addi %mul3A_64, %add3A_477 : i32
        %get3A_479 = arith.index_cast %add3A_478 : i32 to index
        %get3A_480 = arith.constant 96 : index
        %get3A_481 = tpu.vector_load %arg6[%get3A_479, %get3A_480] {strides = array<i32>} : memref<128x128xf32, #tpu.memory_space<vmem>>, vector<1x16xf32>,
        %get3A_482 = vector.shape_cast %get3A_481 : vector<1x16xf32> to vector<16xf32>
        %add3A_483 = arith.constant 5 : i32
        %add3A_484 = arith.addi %mul3A_64, %add3A_483 : i32
        %get3A_485 = arith.index_cast %add3A_484 : i32 to index
        %get3A_486 = arith.constant 96 : index
        %get3A_487 = tpu.vector_load %arg6[%get3A_485, %get3A_486] {strides = array<i32>} : memref<128x128xf32, #tpu.memory_space<vmem>>, vector<1x16xf32>,
        %get3A_488 = vector.shape_cast %get3A_487 : vector<1x16xf32> to vector<16xf32>
        %add3A_489 = arith.constant 6 : i32
        %add3A_490 = arith.addi %mul3A_64, %add3A_489 : i32
        %get3A_491 = arith.index_cast %add3A_490 : i32 to index
        %get3A_492 = arith.constant 96 : index
        %get3A_493 = tpu.vector_load %arg6[%get3A_491, %get3A_492] {strides = array<i32>} : memref<128x128xf32, #tpu.memory_space<vmem>>, vector<1x16xf32>,
        %get3A_494 = vector.shape_cast %get3A_493 : vector<1x16xf32> to vector<16xf32>
        %add3A_495 = arith.constant 7 : i32
        %add3A_496 = arith.addi %mul3A_64, %add3A_495 : i32
        %get3A_497 = arith.index_cast %add3A_496 : i32 to index
        %get3A_498 = arith.constant 96 : index
        %get3A_499 = tpu.vector_load %arg6[%get3A_497, %get3A_498] {strides = array<i32>} : memref<128x128xf32, #tpu.memory_space<vmem>>, vector<1x16xf32>,
        %get3A_500 = vector.shape_cast %get3A_499 : vector<1x16xf32> to vector<16xf32>
        %add3A_501 = arith.addf %get3A_458, %get3A_464 : vector<16xf32>
        %add3A_502 = arith.addf %get3A_470, %get3A_476 : vector<16xf32>
        %add3A_503 = arith.addf %get3A_482, %get3A_488 : vector<16xf32>
        %add3A_504 = arith.addf %get3A_494, %get3A_500 : vector<16xf32>
        %mul3A_505 = arith.mulf %add3A_501, %add3A_501 : vector<16xf32>
        %mul3A_506 = arith.mulf %add3A_502, %add3A_502 : vector<16xf32>
        %mul3A_507 = arith.mulf %add3A_503, %add3A_503 : vector<16xf32>
        %mul3A_508 = arith.mulf %add3A_504, %add3A_504 : vector<16xf32>
        %mul3A_509 = arith.mulf %add3A_501, %add3A_502 : vector<16xf32>
        %mul3A_510 = arith.mulf %add3A_501, %add3A_503 : vector<16xf32>
        %mul3A_511 = arith.mulf %add3A_502, %add3A_504 : vector<16xf32>
        %add3A_512 = arith.addf %add3A_446, %mul3A_505 : vector<16xf32>
        %add3A_513 = arith.addf %add3A_447, %mul3A_506 : vector<16xf32>
        %add3A_514 = arith.addf %add3A_448, %mul3A_507 : vector<16xf32>
        %add3A_515 = arith.addf %add3A_449, %mul3A_508 : vector<16xf32>
        %add3A_516 = arith.addf %add3A_450, %mul3A_509 : vector<16xf32>
        %add3A_517 = arith.addf %add3A_451, %mul3A_510 : vector<16xf32>
        %add3A_518 = arith.addf %add3A_452, %mul3A_511 : vector<16xf32>
        %add3A_519 = arith.constant 0 : i32
        %add3A_520 = arith.addi %mul3A_64, %add3A_519 : i32
        %get3A_521 = arith.index_cast %add3A_520 : i32 to index
        %get3A_522 = arith.constant 112 : index
        %get3A_523 = tpu.vector_load %arg6[%get3A_521, %get3A_522] {strides = array<i32>} : memref<128x128xf32, #tpu.memory_space<vmem>>, vector<1x16xf32>,
        %get3A_524 = vector.shape_cast %get3A_523 : vector<1x16xf32> to vector<16xf32>
        %add3A_525 = arith.constant 1 : i32
        %add3A_526 = arith.addi %mul3A_64, %add3A_525 : i32
        %get3A_527 = arith.index_cast %add3A_526 : i32 to index
        %get3A_528 = arith.constant 112 : index
        %get3A_529 = tpu.vector_load %arg6[%get3A_527, %get3A_528] {strides = array<i32>} : memref<128x128xf32, #tpu.memory_space<vmem>>, vector<1x16xf32>,
        %get3A_530 = vector.shape_cast %get3A_529 : vector<1x16xf32> to vector<16xf32>
        %add3A_531 = arith.constant 2 : i32
        %add3A_532 = arith.addi %mul3A_64, %add3A_531 : i32
        %get3A_533 = arith.index_cast %add3A_532 : i32 to index
        %get3A_534 = arith.constant 112 : index
        %get3A_535 = tpu.vector_load %arg6[%get3A_533, %get3A_534] {strides = array<i32>} : memref<128x128xf32, #tpu.memory_space<vmem>>, vector<1x16xf32>,
        %get3A_536 = vector.shape_cast %get3A_535 : vector<1x16xf32> to vector<16xf32>
        %add3A_537 = arith.constant 3 : i32
        %add3A_538 = arith.addi %mul3A_64, %add3A_537 : i32
        %get3A_539 = arith.index_cast %add3A_538 : i32 to index
        %get3A_540 = arith.constant 112 : index
        %get3A_541 = tpu.vector_load %arg6[%get3A_539, %get3A_540] {strides = array<i32>} : memref<128x128xf32, #tpu.memory_space<vmem>>, vector<1x16xf32>,
        %get3A_542 = vector.shape_cast %get3A_541 : vector<1x16xf32> to vector<16xf32>
        %add3A_543 = arith.constant 4 : i32
        %add3A_544 = arith.addi %mul3A_64, %add3A_543 : i32
        %get3A_545 = arith.index_cast %add3A_544 : i32 to index
        %get3A_546 = arith.constant 112 : index
        %get3A_547 = tpu.vector_load %arg6[%get3A_545, %get3A_546] {strides = array<i32>} : memref<128x128xf32, #tpu.memory_space<vmem>>, vector<1x16xf32>,
        %get3A_548 = vector.shape_cast %get3A_547 : vector<1x16xf32> to vector<16xf32>
        %add3A_549 = arith.constant 5 : i32
        %add3A_550 = arith.addi %mul3A_64, %add3A_549 : i32
        %get3A_551 = arith.index_cast %add3A_550 : i32 to index
        %get3A_552 = arith.constant 112 : index
        %get3A_553 = tpu.vector_load %arg6[%get3A_551, %get3A_552] {strides = array<i32>} : memref<128x128xf32, #tpu.memory_space<vmem>>, vector<1x16xf32>,
        %get3A_554 = vector.shape_cast %get3A_553 : vector<1x16xf32> to vector<16xf32>
        %add3A_555 = arith.constant 6 : i32
        %add3A_556 = arith.addi %mul3A_64, %add3A_555 : i32
        %get3A_557 = arith.index_cast %add3A_556 : i32 to index
        %get3A_558 = arith.constant 112 : index
        %get3A_559 = tpu.vector_load %arg6[%get3A_557, %get3A_558] {strides = array<i32>} : memref<128x128xf32, #tpu.memory_space<vmem>>, vector<1x16xf32>,
        %get3A_560 = vector.shape_cast %get3A_559 : vector<1x16xf32> to vector<16xf32>
        %add3A_561 = arith.constant 7 : i32
        %add3A_562 = arith.addi %mul3A_64, %add3A_561 : i32
        %get3A_563 = arith.index_cast %add3A_562 : i32 to index
        %get3A_564 = arith.constant 112 : index
        %get3A_565 = tpu.vector_load %arg6[%get3A_563, %get3A_564] {strides = array<i32>} : memref<128x128xf32, #tpu.memory_space<vmem>>, vector<1x16xf32>,
        %get3A_566 = vector.shape_cast %get3A_565 : vector<1x16xf32> to vector<16xf32>
        %add3A_567 = arith.addf %get3A_524, %get3A_530 : vector<16xf32>
        %add3A_568 = arith.addf %get3A_536, %get3A_542 : vector<16xf32>
        %add3A_569 = arith.addf %get3A_548, %get3A_554 : vector<16xf32>
        %add3A_570 = arith.addf %get3A_560, %get3A_566 : vector<16xf32>
        %mul3A_571 = arith.mulf %add3A_567, %add3A_567 : vector<16xf32>
        %mul3A_572 = arith.mulf %add3A_568, %add3A_568 : vector<16xf32>
        %mul3A_573 = arith.mulf %add3A_569, %add3A_569 : vector<16xf32>
        %mul3A_574 = arith.mulf %add3A_570, %add3A_570 : vector<16xf32>
        %mul3A_575 = arith.mulf %add3A_567, %add3A_568 : vector<16xf32>
        %mul3A_576 = arith.mulf %add3A_567, %add3A_569 : vector<16xf32>
        %mul3A_577 = arith.mulf %add3A_568, %add3A_570 : vector<16xf32>
        %add3A_578 = arith.addf %add3A_512, %mul3A_571 : vector<16xf32>
        %add3A_579 = arith.addf %add3A_513, %mul3A_572 : vector<16xf32>
        %add3A_580 = arith.addf %add3A_514, %mul3A_573 : vector<16xf32>
        %add3A_581 = arith.addf %add3A_515, %mul3A_574 : vector<16xf32>
        %add3A_582 = arith.addf %add3A_516, %mul3A_575 : vector<16xf32>
        %add3A_583 = arith.addf %add3A_517, %mul3A_576 : vector<16xf32>
        %add3A_584 = arith.addf %add3A_518, %mul3A_577 : vector<16xf32>
        %mul3A_585 = arith.constant 16 : i32
        %mul3A_586 = arith.muli %add3A_23, %mul3A_585 : i32
        %add3A_587 = arith.addi %mul3A_586, %scan3A_62 : i32
        %swap3A = arith.index_cast %add3A_587 : i32 to index
        %swap3A_588 = arith.constant 0 : index
        %swap3A_589 = tpu.vector_load %arg8[%swap3A, %swap3A_588] {strides = array<i32>} : memref<128x128xf32, #tpu.memory_space<vmem>>, vector<1x16xf32>,
        %swap3A_590 = vector.shape_cast %swap3A_589 : vector<1x16xf32> to vector<16xf32>
        %swap3A_591 = vector.shape_cast %add3A_578 : vector<16xf32> to vector<1x16xf32>
        tpu.vector_store %arg8[%swap3A, %swap3A_588], %swap3A_591 {strides = array<i32>} : memref<128x128xf32, #tpu.memory_space<vmem>>, vector<1x16xf32>,
        %swap3A_592 = arith.index_cast %add3A_587 : i32 to index
        %swap3A_593 = arith.constant 16 : index
        %swap3A_594 = tpu.vector_load %arg8[%swap3A_592, %swap3A_593] {strides = array<i32>} : memref<128x128xf32, #tpu.memory_space<vmem>>, vector<1x16xf32>,
        %swap3A_595 = vector.shape_cast %swap3A_594 : vector<1x16xf32> to vector<16xf32>
        %swap3A_596 = vector.shape_cast %add3A_579 : vector<16xf32> to vector<1x16xf32>
        tpu.vector_store %arg8[%swap3A_592, %swap3A_593], %swap3A_596 {strides = array<i32>} : memref<128x128xf32, #tpu.memory_space<vmem>>, vector<1x16xf32>,
        %swap3A_597 = arith.index_cast %add3A_587 : i32 to index
        %swap3A_598 = arith.constant 32 : index
        %swap3A_599 = tpu.vector_load %arg8[%swap3A_597, %swap3A_598] {strides = array<i32>} : memref<128x128xf32, #tpu.memory_space<vmem>>, vector<1x16xf32>,
        %swap3A_600 = vector.shape_cast %swap3A_599 : vector<1x16xf32> to vector<16xf32>
        %swap3A_601 = vector.shape_cast %add3A_580 : vector<16xf32> to vector<1x16xf32>
        tpu.vector_store %arg8[%swap3A_597, %swap3A_598], %swap3A_601 {strides = array<i32>} : memref<128x128xf32, #tpu.memory_space<vmem>>, vector<1x16xf32>,
        %swap3A_602 = arith.index_cast %add3A_587 : i32 to index
        %swap3A_603 = arith.constant 48 : index
        %swap3A_604 = tpu.vector_load %arg8[%swap3A_602, %swap3A_603] {strides = array<i32>} : memref<128x128xf32, #tpu.memory_space<vmem>>, vector<1x16xf32>,
        %swap3A_605 = vector.shape_cast %swap3A_604 : vector<1x16xf32> to vector<16xf32>
        %swap3A_606 = vector.shape_cast %add3A_581 : vector<16xf32> to vector<1x16xf32>
        tpu.vector_store %arg8[%swap3A_602, %swap3A_603], %swap3A_606 {strides = array<i32>} : memref<128x128xf32, #tpu.memory_space<vmem>>, vector<1x16xf32>,
        %swap3A_607 = arith.index_cast %add3A_587 : i32 to index
        %swap3A_608 = arith.constant 64 : index
        %swap3A_609 = tpu.vector_load %arg8[%swap3A_607, %swap3A_608] {strides = array<i32>} : memref<128x128xf32, #tpu.memory_space<vmem>>, vector<1x16xf32>,
        %swap3A_610 = vector.shape_cast %swap3A_609 : vector<1x16xf32> to vector<16xf32>
        %swap3A_611 = vector.shape_cast %add3A_582 : vector<16xf32> to vector<1x16xf32>
        tpu.vector_store %arg8[%swap3A_607, %swap3A_608], %swap3A_611 {strides = array<i32>} : memref<128x128xf32, #tpu.memory_space<vmem>>, vector<1x16xf32>,
        %swap3A_612 = arith.index_cast %add3A_587 : i32 to index
        %swap3A_613 = arith.constant 80 : index
        %swap3A_614 = tpu.vector_load %arg8[%swap3A_612, %swap3A_613] {strides = array<i32>} : memref<128x128xf32, #tpu.memory_space<vmem>>, vector<1x16xf32>,
        %swap3A_615 = vector.shape_cast %swap3A_614 : vector<1x16xf32> to vector<16xf32>
        %swap3A_616 = vector.shape_cast %add3A_583 : vector<16xf32> to vector<1x16xf32>
        tpu.vector_store %arg8[%swap3A_612, %swap3A_613], %swap3A_616 {strides = array<i32>} : memref<128x128xf32, #tpu.memory_space<vmem>>, vector<1x16xf32>,
        %swap3A_617 = arith.index_cast %add3A_587 : i32 to index
        %swap3A_618 = arith.constant 96 : index
        %swap3A_619 = tpu.vector_load %arg8[%swap3A_617, %swap3A_618] {strides = array<i32>} : memref<128x128xf32, #tpu.memory_space<vmem>>, vector<1x16xf32>,
        %swap3A_620 = vector.shape_cast %swap3A_619 : vector<1x16xf32> to vector<16xf32>
        %swap3A_621 = vector.shape_cast %add3A_584 : vector<16xf32> to vector<1x16xf32>
        tpu.vector_store %arg8[%swap3A_617, %swap3A_618], %swap3A_621 {strides = array<i32>} : memref<128x128xf32, #tpu.memory_space<vmem>>, vector<1x16xf32>,
        %broadcast_in_dim3A = arith.constant 0.000000e+00 : f32
        %broadcast_in_dim3A_622 = vector.broadcast %broadcast_in_dim3A : f32 to vector<16xf32>
        %swap3A_623 = arith.index_cast %add3A_587 : i32 to index
        %swap3A_624 = arith.constant 112 : index
        %swap3A_625 = tpu.vector_load %arg8[%swap3A_623, %swap3A_624] {strides = array<i32>} : memref<128x128xf32, #tpu.memory_space<vmem>>, vector<1x16xf32>,
        %swap3A_626 = vector.shape_cast %swap3A_625 : vector<1x16xf32> to vector<16xf32>
        %swap3A_627 = vector.shape_cast %broadcast_in_dim3A_622 : vector<16xf32> to vector<1x16xf32>
        tpu.vector_store %arg8[%swap3A_623, %swap3A_624], %swap3A_627 {strides = array<i32>} : memref<128x128xf32, #tpu.memory_space<vmem>>, vector<1x16xf32>,
      }
      %scan3A_34 = arith.constant 16 : i32
      %add3A_35 = arith.constant 2 : i32
      %add3A_36 = arith.addi %add3A_23, %add3A_35 : i32
      %lt3A = arith.constant 8 : i32
      %lt3A_37 = arith.cmpi slt, %add3A_36, %lt3A : i32
      %convert_element_type3A = arith.extui %lt3A_37 : i1 to i32
      %cond3A = arith.constant 0 : i32
      %cond3A_38 = arith.cmpi ne, %convert_element_type3A, %cond3A : i32
      scf.if %cond3A_38 {
        %mul3A_62 = arith.constant 128 : i32
        %mul3A_63 = arith.muli %add3A_36, %mul3A_62 : i32
        %dma_start3A_64 = tpu.memref_slice %arg5[%mul3A_63] : memref<1024xi32, #tpu.memory_space<vmem>> -> memref<128xi32, #tpu.memory_space<vmem>>
        %dma_start3A_65 = arith.constant 0 : i32
        %dma_start3A_66 = arith.constant 0 : i32
        %dma_start3A_67 = tpu.memref_slice %arg2[%dma_start3A_65, %dma_start3A_66] : memref<100000x128xf32, #tpu.memory_space<hbm>> -> memref<100000x128xf32, #tpu.memory_space<hbm>>
        tpu.enqueue_indirect_dma source(%dma_start3A_67 : memref<100000x128xf32, #tpu.memory_space<hbm>>) target(%arg6 : memref<128x128xf32, #tpu.memory_space<vmem>>) offsets(%dma_start3A_64 : memref<128xi32, #tpu.memory_space<vmem>>) semaphore(%arg9 : memref<!tpu.dma_semaphore, #tpu.memory_space<semaphore_mem>>)
      } else {
      }
      %mul3A_39 = arith.constant 2 : i32
      %mul3A_40 = arith.muli %mul3A_39, %scan3A_19 : i32
      %add3A_41 = arith.constant 1 : i32
      %add3A_42 = arith.addi %mul3A_40, %add3A_41 : i32
      %mul3A_43 = arith.constant 128 : i32
      %mul3A_44 = arith.muli %add3A_42, %mul3A_43 : i32
      %dma_wait3A_45 = tpu.memref_slice %arg5[%mul3A_44] : memref<1024xi32, #tpu.memory_space<vmem>> -> memref<128xi32, #tpu.memory_space<vmem>>
      %dma_wait3A_46 = arith.constant 0 : i32
      %dma_wait3A_47 = arith.constant 0 : i32
      %dma_wait3A_48 = tpu.memref_slice %arg2[%dma_wait3A_46, %dma_wait3A_47] : memref<100000x128xf32, #tpu.memory_space<hbm>> -> memref<100000x128xf32, #tpu.memory_space<hbm>>
      tpu.wait_indirect_dma semaphore(%arg10 : memref<!tpu.dma_semaphore, #tpu.memory_space<semaphore_mem>>) src(%dma_wait3A_48 : memref<100000x128xf32, #tpu.memory_space<hbm>>) dst(%arg7 : memref<128x128xf32, #tpu.memory_space<vmem>>)
      %scan3A_49 = arith.constant 0 : i32
      %scan3A_50 = arith.constant 0 : i32
      %scan3A_51 = arith.constant 16 : i32
      %scan3A_52 = arith.addi %scan3A_50, %scan3A_51 : i32
      %scan3A_53 = arith.constant 1 : i32
      scf.for %scan3A_62 = %scan3A_50 to %scan3A_52 step %scan3A_53  : i32 {
        %mul3A_63 = arith.constant 8 : i32
        %mul3A_64 = arith.muli %scan3A_62, %mul3A_63 : i32
        %add3A_65 = arith.constant 0 : i32
        %add3A_66 = arith.addi %mul3A_64, %add3A_65 : i32
        %get3A = arith.index_cast %add3A_66 : i32 to index
        %get3A_67 = arith.constant 0 : index
        %get3A_68 = tpu.vector_load %arg7[%get3A, %get3A_67] {strides = array<i32>} : memref<128x128xf32, #tpu.memory_space<vmem>>, vector<1x16xf32>,
        %get3A_69 = vector.shape_cast %get3A_68 : vector<1x16xf32> to vector<16xf32>
        %add3A_70 = arith.constant 1 : i32
        %add3A_71 = arith.addi %mul3A_64, %add3A_70 : i32
        %get3A_72 = arith.index_cast %add3A_71 : i32 to index
        %get3A_73 = arith.constant 0 : index
        %get3A_74 = tpu.vector_load %arg7[%get3A_72, %get3A_73] {strides = array<i32>} : memref<128x128xf32, #tpu.memory_space<vmem>>, vector<1x16xf32>,
        %get3A_75 = vector.shape_cast %get3A_74 : vector<1x16xf32> to vector<16xf32>
        %add3A_76 = arith.constant 2 : i32
        %add3A_77 = arith.addi %mul3A_64, %add3A_76 : i32
        %get3A_78 = arith.index_cast %add3A_77 : i32 to index
        %get3A_79 = arith.constant 0 : index
        %get3A_80 = tpu.vector_load %arg7[%get3A_78, %get3A_79] {strides = array<i32>} : memref<128x128xf32, #tpu.memory_space<vmem>>, vector<1x16xf32>,
        %get3A_81 = vector.shape_cast %get3A_80 : vector<1x16xf32> to vector<16xf32>
        %add3A_82 = arith.constant 3 : i32
        %add3A_83 = arith.addi %mul3A_64, %add3A_82 : i32
        %get3A_84 = arith.index_cast %add3A_83 : i32 to index
        %get3A_85 = arith.constant 0 : index
        %get3A_86 = tpu.vector_load %arg7[%get3A_84, %get3A_85] {strides = array<i32>} : memref<128x128xf32, #tpu.memory_space<vmem>>, vector<1x16xf32>,
        %get3A_87 = vector.shape_cast %get3A_86 : vector<1x16xf32> to vector<16xf32>
        %add3A_88 = arith.constant 4 : i32
        %add3A_89 = arith.addi %mul3A_64, %add3A_88 : i32
        %get3A_90 = arith.index_cast %add3A_89 : i32 to index
        %get3A_91 = arith.constant 0 : index
        %get3A_92 = tpu.vector_load %arg7[%get3A_90, %get3A_91] {strides = array<i32>} : memref<128x128xf32, #tpu.memory_space<vmem>>, vector<1x16xf32>,
        %get3A_93 = vector.shape_cast %get3A_92 : vector<1x16xf32> to vector<16xf32>
        %add3A_94 = arith.constant 5 : i32
        %add3A_95 = arith.addi %mul3A_64, %add3A_94 : i32
        %get3A_96 = arith.index_cast %add3A_95 : i32 to index
        %get3A_97 = arith.constant 0 : index
        %get3A_98 = tpu.vector_load %arg7[%get3A_96, %get3A_97] {strides = array<i32>} : memref<128x128xf32, #tpu.memory_space<vmem>>, vector<1x16xf32>,
        %get3A_99 = vector.shape_cast %get3A_98 : vector<1x16xf32> to vector<16xf32>
        %add3A_100 = arith.constant 6 : i32
        %add3A_101 = arith.addi %mul3A_64, %add3A_100 : i32
        %get3A_102 = arith.index_cast %add3A_101 : i32 to index
        %get3A_103 = arith.constant 0 : index
        %get3A_104 = tpu.vector_load %arg7[%get3A_102, %get3A_103] {strides = array<i32>} : memref<128x128xf32, #tpu.memory_space<vmem>>, vector<1x16xf32>,
        %get3A_105 = vector.shape_cast %get3A_104 : vector<1x16xf32> to vector<16xf32>
        %add3A_106 = arith.constant 7 : i32
        %add3A_107 = arith.addi %mul3A_64, %add3A_106 : i32
        %get3A_108 = arith.index_cast %add3A_107 : i32 to index
        %get3A_109 = arith.constant 0 : index
        %get3A_110 = tpu.vector_load %arg7[%get3A_108, %get3A_109] {strides = array<i32>} : memref<128x128xf32, #tpu.memory_space<vmem>>, vector<1x16xf32>,
        %get3A_111 = vector.shape_cast %get3A_110 : vector<1x16xf32> to vector<16xf32>
        %add3A_112 = arith.addf %get3A_69, %get3A_75 : vector<16xf32>
        %add3A_113 = arith.addf %get3A_81, %get3A_87 : vector<16xf32>
        %add3A_114 = arith.addf %get3A_93, %get3A_99 : vector<16xf32>
        %add3A_115 = arith.addf %get3A_105, %get3A_111 : vector<16xf32>
        %mul3A_116 = arith.mulf %add3A_112, %add3A_112 : vector<16xf32>
        %mul3A_117 = arith.mulf %add3A_113, %add3A_113 : vector<16xf32>
        %mul3A_118 = arith.mulf %add3A_114, %add3A_114 : vector<16xf32>
        %mul3A_119 = arith.mulf %add3A_115, %add3A_115 : vector<16xf32>
        %mul3A_120 = arith.mulf %add3A_112, %add3A_113 : vector<16xf32>
        %mul3A_121 = arith.mulf %add3A_112, %add3A_114 : vector<16xf32>
        %mul3A_122 = arith.mulf %add3A_113, %add3A_115 : vector<16xf32>
        %add3A_123 = arith.constant 0 : i32
        %add3A_124 = arith.addi %mul3A_64, %add3A_123 : i32
        %get3A_125 = arith.index_cast %add3A_124 : i32 to index
        %get3A_126 = arith.constant 16 : index
        %get3A_127 = tpu.vector_load %arg7[%get3A_125, %get3A_126] {strides = array<i32>} : memref<128x128xf32, #tpu.memory_space<vmem>>, vector<1x16xf32>,
        %get3A_128 = vector.shape_cast %get3A_127 : vector<1x16xf32> to vector<16xf32>
        %add3A_129 = arith.constant 1 : i32
        %add3A_130 = arith.addi %mul3A_64, %add3A_129 : i32
        %get3A_131 = arith.index_cast %add3A_130 : i32 to index
        %get3A_132 = arith.constant 16 : index
        %get3A_133 = tpu.vector_load %arg7[%get3A_131, %get3A_132] {strides = array<i32>} : memref<128x128xf32, #tpu.memory_space<vmem>>, vector<1x16xf32>,
        %get3A_134 = vector.shape_cast %get3A_133 : vector<1x16xf32> to vector<16xf32>
        %add3A_135 = arith.constant 2 : i32
        %add3A_136 = arith.addi %mul3A_64, %add3A_135 : i32
        %get3A_137 = arith.index_cast %add3A_136 : i32 to index
        %get3A_138 = arith.constant 16 : index
        %get3A_139 = tpu.vector_load %arg7[%get3A_137, %get3A_138] {strides = array<i32>} : memref<128x128xf32, #tpu.memory_space<vmem>>, vector<1x16xf32>,
        %get3A_140 = vector.shape_cast %get3A_139 : vector<1x16xf32> to vector<16xf32>
        %add3A_141 = arith.constant 3 : i32
        %add3A_142 = arith.addi %mul3A_64, %add3A_141 : i32
        %get3A_143 = arith.index_cast %add3A_142 : i32 to index
        %get3A_144 = arith.constant 16 : index
        %get3A_145 = tpu.vector_load %arg7[%get3A_143, %get3A_144] {strides = array<i32>} : memref<128x128xf32, #tpu.memory_space<vmem>>, vector<1x16xf32>,
        %get3A_146 = vector.shape_cast %get3A_145 : vector<1x16xf32> to vector<16xf32>
        %add3A_147 = arith.constant 4 : i32
        %add3A_148 = arith.addi %mul3A_64, %add3A_147 : i32
        %get3A_149 = arith.index_cast %add3A_148 : i32 to index
        %get3A_150 = arith.constant 16 : index
        %get3A_151 = tpu.vector_load %arg7[%get3A_149, %get3A_150] {strides = array<i32>} : memref<128x128xf32, #tpu.memory_space<vmem>>, vector<1x16xf32>,
        %get3A_152 = vector.shape_cast %get3A_151 : vector<1x16xf32> to vector<16xf32>
        %add3A_153 = arith.constant 5 : i32
        %add3A_154 = arith.addi %mul3A_64, %add3A_153 : i32
        %get3A_155 = arith.index_cast %add3A_154 : i32 to index
        %get3A_156 = arith.constant 16 : index
        %get3A_157 = tpu.vector_load %arg7[%get3A_155, %get3A_156] {strides = array<i32>} : memref<128x128xf32, #tpu.memory_space<vmem>>, vector<1x16xf32>,
        %get3A_158 = vector.shape_cast %get3A_157 : vector<1x16xf32> to vector<16xf32>
        %add3A_159 = arith.constant 6 : i32
        %add3A_160 = arith.addi %mul3A_64, %add3A_159 : i32
        %get3A_161 = arith.index_cast %add3A_160 : i32 to index
        %get3A_162 = arith.constant 16 : index
        %get3A_163 = tpu.vector_load %arg7[%get3A_161, %get3A_162] {strides = array<i32>} : memref<128x128xf32, #tpu.memory_space<vmem>>, vector<1x16xf32>,
        %get3A_164 = vector.shape_cast %get3A_163 : vector<1x16xf32> to vector<16xf32>
        %add3A_165 = arith.constant 7 : i32
        %add3A_166 = arith.addi %mul3A_64, %add3A_165 : i32
        %get3A_167 = arith.index_cast %add3A_166 : i32 to index
        %get3A_168 = arith.constant 16 : index
        %get3A_169 = tpu.vector_load %arg7[%get3A_167, %get3A_168] {strides = array<i32>} : memref<128x128xf32, #tpu.memory_space<vmem>>, vector<1x16xf32>,
        %get3A_170 = vector.shape_cast %get3A_169 : vector<1x16xf32> to vector<16xf32>
        %add3A_171 = arith.addf %get3A_128, %get3A_134 : vector<16xf32>
        %add3A_172 = arith.addf %get3A_140, %get3A_146 : vector<16xf32>
        %add3A_173 = arith.addf %get3A_152, %get3A_158 : vector<16xf32>
        %add3A_174 = arith.addf %get3A_164, %get3A_170 : vector<16xf32>
        %mul3A_175 = arith.mulf %add3A_171, %add3A_171 : vector<16xf32>
        %mul3A_176 = arith.mulf %add3A_172, %add3A_172 : vector<16xf32>
        %mul3A_177 = arith.mulf %add3A_173, %add3A_173 : vector<16xf32>
        %mul3A_178 = arith.mulf %add3A_174, %add3A_174 : vector<16xf32>
        %mul3A_179 = arith.mulf %add3A_171, %add3A_172 : vector<16xf32>
        %mul3A_180 = arith.mulf %add3A_171, %add3A_173 : vector<16xf32>
        %mul3A_181 = arith.mulf %add3A_172, %add3A_174 : vector<16xf32>
        %add3A_182 = arith.addf %mul3A_116, %mul3A_175 : vector<16xf32>
        %add3A_183 = arith.addf %mul3A_117, %mul3A_176 : vector<16xf32>
        %add3A_184 = arith.addf %mul3A_118, %mul3A_177 : vector<16xf32>
        %add3A_185 = arith.addf %mul3A_119, %mul3A_178 : vector<16xf32>
        %add3A_186 = arith.addf %mul3A_120, %mul3A_179 : vector<16xf32>
        %add3A_187 = arith.addf %mul3A_121, %mul3A_180 : vector<16xf32>
        %add3A_188 = arith.addf %mul3A_122, %mul3A_181 : vector<16xf32>
        %add3A_189 = arith.constant 0 : i32
        %add3A_190 = arith.addi %mul3A_64, %add3A_189 : i32
        %get3A_191 = arith.index_cast %add3A_190 : i32 to index
        %get3A_192 = arith.constant 32 : index
        %get3A_193 = tpu.vector_load %arg7[%get3A_191, %get3A_192] {strides = array<i32>} : memref<128x128xf32, #tpu.memory_space<vmem>>, vector<1x16xf32>,
        %get3A_194 = vector.shape_cast %get3A_193 : vector<1x16xf32> to vector<16xf32>
        %add3A_195 = arith.constant 1 : i32
        %add3A_196 = arith.addi %mul3A_64, %add3A_195 : i32
        %get3A_197 = arith.index_cast %add3A_196 : i32 to index
        %get3A_198 = arith.constant 32 : index
        %get3A_199 = tpu.vector_load %arg7[%get3A_197, %get3A_198] {strides = array<i32>} : memref<128x128xf32, #tpu.memory_space<vmem>>, vector<1x16xf32>,
        %get3A_200 = vector.shape_cast %get3A_199 : vector<1x16xf32> to vector<16xf32>
        %add3A_201 = arith.constant 2 : i32
        %add3A_202 = arith.addi %mul3A_64, %add3A_201 : i32
        %get3A_203 = arith.index_cast %add3A_202 : i32 to index
        %get3A_204 = arith.constant 32 : index
        %get3A_205 = tpu.vector_load %arg7[%get3A_203, %get3A_204] {strides = array<i32>} : memref<128x128xf32, #tpu.memory_space<vmem>>, vector<1x16xf32>,
        %get3A_206 = vector.shape_cast %get3A_205 : vector<1x16xf32> to vector<16xf32>
        %add3A_207 = arith.constant 3 : i32
        %add3A_208 = arith.addi %mul3A_64, %add3A_207 : i32
        %get3A_209 = arith.index_cast %add3A_208 : i32 to index
        %get3A_210 = arith.constant 32 : index
        %get3A_211 = tpu.vector_load %arg7[%get3A_209, %get3A_210] {strides = array<i32>} : memref<128x128xf32, #tpu.memory_space<vmem>>, vector<1x16xf32>,
        %get3A_212 = vector.shape_cast %get3A_211 : vector<1x16xf32> to vector<16xf32>
        %add3A_213 = arith.constant 4 : i32
        %add3A_214 = arith.addi %mul3A_64, %add3A_213 : i32
        %get3A_215 = arith.index_cast %add3A_214 : i32 to index
        %get3A_216 = arith.constant 32 : index
        %get3A_217 = tpu.vector_load %arg7[%get3A_215, %get3A_216] {strides = array<i32>} : memref<128x128xf32, #tpu.memory_space<vmem>>, vector<1x16xf32>,
        %get3A_218 = vector.shape_cast %get3A_217 : vector<1x16xf32> to vector<16xf32>
        %add3A_219 = arith.constant 5 : i32
        %add3A_220 = arith.addi %mul3A_64, %add3A_219 : i32
        %get3A_221 = arith.index_cast %add3A_220 : i32 to index
        %get3A_222 = arith.constant 32 : index
        %get3A_223 = tpu.vector_load %arg7[%get3A_221, %get3A_222] {strides = array<i32>} : memref<128x128xf32, #tpu.memory_space<vmem>>, vector<1x16xf32>,
        %get3A_224 = vector.shape_cast %get3A_223 : vector<1x16xf32> to vector<16xf32>
        %add3A_225 = arith.constant 6 : i32
        %add3A_226 = arith.addi %mul3A_64, %add3A_225 : i32
        %get3A_227 = arith.index_cast %add3A_226 : i32 to index
        %get3A_228 = arith.constant 32 : index
        %get3A_229 = tpu.vector_load %arg7[%get3A_227, %get3A_228] {strides = array<i32>} : memref<128x128xf32, #tpu.memory_space<vmem>>, vector<1x16xf32>,
        %get3A_230 = vector.shape_cast %get3A_229 : vector<1x16xf32> to vector<16xf32>
        %add3A_231 = arith.constant 7 : i32
        %add3A_232 = arith.addi %mul3A_64, %add3A_231 : i32
        %get3A_233 = arith.index_cast %add3A_232 : i32 to index
        %get3A_234 = arith.constant 32 : index
        %get3A_235 = tpu.vector_load %arg7[%get3A_233, %get3A_234] {strides = array<i32>} : memref<128x128xf32, #tpu.memory_space<vmem>>, vector<1x16xf32>,
        %get3A_236 = vector.shape_cast %get3A_235 : vector<1x16xf32> to vector<16xf32>
        %add3A_237 = arith.addf %get3A_194, %get3A_200 : vector<16xf32>
        %add3A_238 = arith.addf %get3A_206, %get3A_212 : vector<16xf32>
        %add3A_239 = arith.addf %get3A_218, %get3A_224 : vector<16xf32>
        %add3A_240 = arith.addf %get3A_230, %get3A_236 : vector<16xf32>
        %mul3A_241 = arith.mulf %add3A_237, %add3A_237 : vector<16xf32>
        %mul3A_242 = arith.mulf %add3A_238, %add3A_238 : vector<16xf32>
        %mul3A_243 = arith.mulf %add3A_239, %add3A_239 : vector<16xf32>
        %mul3A_244 = arith.mulf %add3A_240, %add3A_240 : vector<16xf32>
        %mul3A_245 = arith.mulf %add3A_237, %add3A_238 : vector<16xf32>
        %mul3A_246 = arith.mulf %add3A_237, %add3A_239 : vector<16xf32>
        %mul3A_247 = arith.mulf %add3A_238, %add3A_240 : vector<16xf32>
        %add3A_248 = arith.addf %add3A_182, %mul3A_241 : vector<16xf32>
        %add3A_249 = arith.addf %add3A_183, %mul3A_242 : vector<16xf32>
        %add3A_250 = arith.addf %add3A_184, %mul3A_243 : vector<16xf32>
        %add3A_251 = arith.addf %add3A_185, %mul3A_244 : vector<16xf32>
        %add3A_252 = arith.addf %add3A_186, %mul3A_245 : vector<16xf32>
        %add3A_253 = arith.addf %add3A_187, %mul3A_246 : vector<16xf32>
        %add3A_254 = arith.addf %add3A_188, %mul3A_247 : vector<16xf32>
        %add3A_255 = arith.constant 0 : i32
        %add3A_256 = arith.addi %mul3A_64, %add3A_255 : i32
        %get3A_257 = arith.index_cast %add3A_256 : i32 to index
        %get3A_258 = arith.constant 48 : index
        %get3A_259 = tpu.vector_load %arg7[%get3A_257, %get3A_258] {strides = array<i32>} : memref<128x128xf32, #tpu.memory_space<vmem>>, vector<1x16xf32>,
        %get3A_260 = vector.shape_cast %get3A_259 : vector<1x16xf32> to vector<16xf32>
        %add3A_261 = arith.constant 1 : i32
        %add3A_262 = arith.addi %mul3A_64, %add3A_261 : i32
        %get3A_263 = arith.index_cast %add3A_262 : i32 to index
        %get3A_264 = arith.constant 48 : index
        %get3A_265 = tpu.vector_load %arg7[%get3A_263, %get3A_264] {strides = array<i32>} : memref<128x128xf32, #tpu.memory_space<vmem>>, vector<1x16xf32>,
        %get3A_266 = vector.shape_cast %get3A_265 : vector<1x16xf32> to vector<16xf32>
        %add3A_267 = arith.constant 2 : i32
        %add3A_268 = arith.addi %mul3A_64, %add3A_267 : i32
        %get3A_269 = arith.index_cast %add3A_268 : i32 to index
        %get3A_270 = arith.constant 48 : index
        %get3A_271 = tpu.vector_load %arg7[%get3A_269, %get3A_270] {strides = array<i32>} : memref<128x128xf32, #tpu.memory_space<vmem>>, vector<1x16xf32>,
        %get3A_272 = vector.shape_cast %get3A_271 : vector<1x16xf32> to vector<16xf32>
        %add3A_273 = arith.constant 3 : i32
        %add3A_274 = arith.addi %mul3A_64, %add3A_273 : i32
        %get3A_275 = arith.index_cast %add3A_274 : i32 to index
        %get3A_276 = arith.constant 48 : index
        %get3A_277 = tpu.vector_load %arg7[%get3A_275, %get3A_276] {strides = array<i32>} : memref<128x128xf32, #tpu.memory_space<vmem>>, vector<1x16xf32>,
        %get3A_278 = vector.shape_cast %get3A_277 : vector<1x16xf32> to vector<16xf32>
        %add3A_279 = arith.constant 4 : i32
        %add3A_280 = arith.addi %mul3A_64, %add3A_279 : i32
        %get3A_281 = arith.index_cast %add3A_280 : i32 to index
        %get3A_282 = arith.constant 48 : index
        %get3A_283 = tpu.vector_load %arg7[%get3A_281, %get3A_282] {strides = array<i32>} : memref<128x128xf32, #tpu.memory_space<vmem>>, vector<1x16xf32>,
        %get3A_284 = vector.shape_cast %get3A_283 : vector<1x16xf32> to vector<16xf32>
        %add3A_285 = arith.constant 5 : i32
        %add3A_286 = arith.addi %mul3A_64, %add3A_285 : i32
        %get3A_287 = arith.index_cast %add3A_286 : i32 to index
        %get3A_288 = arith.constant 48 : index
        %get3A_289 = tpu.vector_load %arg7[%get3A_287, %get3A_288] {strides = array<i32>} : memref<128x128xf32, #tpu.memory_space<vmem>>, vector<1x16xf32>,
        %get3A_290 = vector.shape_cast %get3A_289 : vector<1x16xf32> to vector<16xf32>
        %add3A_291 = arith.constant 6 : i32
        %add3A_292 = arith.addi %mul3A_64, %add3A_291 : i32
        %get3A_293 = arith.index_cast %add3A_292 : i32 to index
        %get3A_294 = arith.constant 48 : index
        %get3A_295 = tpu.vector_load %arg7[%get3A_293, %get3A_294] {strides = array<i32>} : memref<128x128xf32, #tpu.memory_space<vmem>>, vector<1x16xf32>,
        %get3A_296 = vector.shape_cast %get3A_295 : vector<1x16xf32> to vector<16xf32>
        %add3A_297 = arith.constant 7 : i32
        %add3A_298 = arith.addi %mul3A_64, %add3A_297 : i32
        %get3A_299 = arith.index_cast %add3A_298 : i32 to index
        %get3A_300 = arith.constant 48 : index
        %get3A_301 = tpu.vector_load %arg7[%get3A_299, %get3A_300] {strides = array<i32>} : memref<128x128xf32, #tpu.memory_space<vmem>>, vector<1x16xf32>,
        %get3A_302 = vector.shape_cast %get3A_301 : vector<1x16xf32> to vector<16xf32>
        %add3A_303 = arith.addf %get3A_260, %get3A_266 : vector<16xf32>
        %add3A_304 = arith.addf %get3A_272, %get3A_278 : vector<16xf32>
        %add3A_305 = arith.addf %get3A_284, %get3A_290 : vector<16xf32>
        %add3A_306 = arith.addf %get3A_296, %get3A_302 : vector<16xf32>
        %mul3A_307 = arith.mulf %add3A_303, %add3A_303 : vector<16xf32>
        %mul3A_308 = arith.mulf %add3A_304, %add3A_304 : vector<16xf32>
        %mul3A_309 = arith.mulf %add3A_305, %add3A_305 : vector<16xf32>
        %mul3A_310 = arith.mulf %add3A_306, %add3A_306 : vector<16xf32>
        %mul3A_311 = arith.mulf %add3A_303, %add3A_304 : vector<16xf32>
        %mul3A_312 = arith.mulf %add3A_303, %add3A_305 : vector<16xf32>
        %mul3A_313 = arith.mulf %add3A_304, %add3A_306 : vector<16xf32>
        %add3A_314 = arith.addf %add3A_248, %mul3A_307 : vector<16xf32>
        %add3A_315 = arith.addf %add3A_249, %mul3A_308 : vector<16xf32>
        %add3A_316 = arith.addf %add3A_250, %mul3A_309 : vector<16xf32>
        %add3A_317 = arith.addf %add3A_251, %mul3A_310 : vector<16xf32>
        %add3A_318 = arith.addf %add3A_252, %mul3A_311 : vector<16xf32>
        %add3A_319 = arith.addf %add3A_253, %mul3A_312 : vector<16xf32>
        %add3A_320 = arith.addf %add3A_254, %mul3A_313 : vector<16xf32>
        %add3A_321 = arith.constant 0 : i32
        %add3A_322 = arith.addi %mul3A_64, %add3A_321 : i32
        %get3A_323 = arith.index_cast %add3A_322 : i32 to index
        %get3A_324 = arith.constant 64 : index
        %get3A_325 = tpu.vector_load %arg7[%get3A_323, %get3A_324] {strides = array<i32>} : memref<128x128xf32, #tpu.memory_space<vmem>>, vector<1x16xf32>,
        %get3A_326 = vector.shape_cast %get3A_325 : vector<1x16xf32> to vector<16xf32>
        %add3A_327 = arith.constant 1 : i32
        %add3A_328 = arith.addi %mul3A_64, %add3A_327 : i32
        %get3A_329 = arith.index_cast %add3A_328 : i32 to index
        %get3A_330 = arith.constant 64 : index
        %get3A_331 = tpu.vector_load %arg7[%get3A_329, %get3A_330] {strides = array<i32>} : memref<128x128xf32, #tpu.memory_space<vmem>>, vector<1x16xf32>,
        %get3A_332 = vector.shape_cast %get3A_331 : vector<1x16xf32> to vector<16xf32>
        %add3A_333 = arith.constant 2 : i32
        %add3A_334 = arith.addi %mul3A_64, %add3A_333 : i32
        %get3A_335 = arith.index_cast %add3A_334 : i32 to index
        %get3A_336 = arith.constant 64 : index
        %get3A_337 = tpu.vector_load %arg7[%get3A_335, %get3A_336] {strides = array<i32>} : memref<128x128xf32, #tpu.memory_space<vmem>>, vector<1x16xf32>,
        %get3A_338 = vector.shape_cast %get3A_337 : vector<1x16xf32> to vector<16xf32>
        %add3A_339 = arith.constant 3 : i32
        %add3A_340 = arith.addi %mul3A_64, %add3A_339 : i32
        %get3A_341 = arith.index_cast %add3A_340 : i32 to index
        %get3A_342 = arith.constant 64 : index
        %get3A_343 = tpu.vector_load %arg7[%get3A_341, %get3A_342] {strides = array<i32>} : memref<128x128xf32, #tpu.memory_space<vmem>>, vector<1x16xf32>,
        %get3A_344 = vector.shape_cast %get3A_343 : vector<1x16xf32> to vector<16xf32>
        %add3A_345 = arith.constant 4 : i32
        %add3A_346 = arith.addi %mul3A_64, %add3A_345 : i32
        %get3A_347 = arith.index_cast %add3A_346 : i32 to index
        %get3A_348 = arith.constant 64 : index
        %get3A_349 = tpu.vector_load %arg7[%get3A_347, %get3A_348] {strides = array<i32>} : memref<128x128xf32, #tpu.memory_space<vmem>>, vector<1x16xf32>,
        %get3A_350 = vector.shape_cast %get3A_349 : vector<1x16xf32> to vector<16xf32>
        %add3A_351 = arith.constant 5 : i32
        %add3A_352 = arith.addi %mul3A_64, %add3A_351 : i32
        %get3A_353 = arith.index_cast %add3A_352 : i32 to index
        %get3A_354 = arith.constant 64 : index
        %get3A_355 = tpu.vector_load %arg7[%get3A_353, %get3A_354] {strides = array<i32>} : memref<128x128xf32, #tpu.memory_space<vmem>>, vector<1x16xf32>,
        %get3A_356 = vector.shape_cast %get3A_355 : vector<1x16xf32> to vector<16xf32>
        %add3A_357 = arith.constant 6 : i32
        %add3A_358 = arith.addi %mul3A_64, %add3A_357 : i32
        %get3A_359 = arith.index_cast %add3A_358 : i32 to index
        %get3A_360 = arith.constant 64 : index
        %get3A_361 = tpu.vector_load %arg7[%get3A_359, %get3A_360] {strides = array<i32>} : memref<128x128xf32, #tpu.memory_space<vmem>>, vector<1x16xf32>,
        %get3A_362 = vector.shape_cast %get3A_361 : vector<1x16xf32> to vector<16xf32>
        %add3A_363 = arith.constant 7 : i32
        %add3A_364 = arith.addi %mul3A_64, %add3A_363 : i32
        %get3A_365 = arith.index_cast %add3A_364 : i32 to index
        %get3A_366 = arith.constant 64 : index
        %get3A_367 = tpu.vector_load %arg7[%get3A_365, %get3A_366] {strides = array<i32>} : memref<128x128xf32, #tpu.memory_space<vmem>>, vector<1x16xf32>,
        %get3A_368 = vector.shape_cast %get3A_367 : vector<1x16xf32> to vector<16xf32>
        %add3A_369 = arith.addf %get3A_326, %get3A_332 : vector<16xf32>
        %add3A_370 = arith.addf %get3A_338, %get3A_344 : vector<16xf32>
        %add3A_371 = arith.addf %get3A_350, %get3A_356 : vector<16xf32>
        %add3A_372 = arith.addf %get3A_362, %get3A_368 : vector<16xf32>
        %mul3A_373 = arith.mulf %add3A_369, %add3A_369 : vector<16xf32>
        %mul3A_374 = arith.mulf %add3A_370, %add3A_370 : vector<16xf32>
        %mul3A_375 = arith.mulf %add3A_371, %add3A_371 : vector<16xf32>
        %mul3A_376 = arith.mulf %add3A_372, %add3A_372 : vector<16xf32>
        %mul3A_377 = arith.mulf %add3A_369, %add3A_370 : vector<16xf32>
        %mul3A_378 = arith.mulf %add3A_369, %add3A_371 : vector<16xf32>
        %mul3A_379 = arith.mulf %add3A_370, %add3A_372 : vector<16xf32>
        %add3A_380 = arith.addf %add3A_314, %mul3A_373 : vector<16xf32>
        %add3A_381 = arith.addf %add3A_315, %mul3A_374 : vector<16xf32>
        %add3A_382 = arith.addf %add3A_316, %mul3A_375 : vector<16xf32>
        %add3A_383 = arith.addf %add3A_317, %mul3A_376 : vector<16xf32>
        %add3A_384 = arith.addf %add3A_318, %mul3A_377 : vector<16xf32>
        %add3A_385 = arith.addf %add3A_319, %mul3A_378 : vector<16xf32>
        %add3A_386 = arith.addf %add3A_320, %mul3A_379 : vector<16xf32>
        %add3A_387 = arith.constant 0 : i32
        %add3A_388 = arith.addi %mul3A_64, %add3A_387 : i32
        %get3A_389 = arith.index_cast %add3A_388 : i32 to index
        %get3A_390 = arith.constant 80 : index
        %get3A_391 = tpu.vector_load %arg7[%get3A_389, %get3A_390] {strides = array<i32>} : memref<128x128xf32, #tpu.memory_space<vmem>>, vector<1x16xf32>,
        %get3A_392 = vector.shape_cast %get3A_391 : vector<1x16xf32> to vector<16xf32>
        %add3A_393 = arith.constant 1 : i32
        %add3A_394 = arith.addi %mul3A_64, %add3A_393 : i32
        %get3A_395 = arith.index_cast %add3A_394 : i32 to index
        %get3A_396 = arith.constant 80 : index
        %get3A_397 = tpu.vector_load %arg7[%get3A_395, %get3A_396] {strides = array<i32>} : memref<128x128xf32, #tpu.memory_space<vmem>>, vector<1x16xf32>,
        %get3A_398 = vector.shape_cast %get3A_397 : vector<1x16xf32> to vector<16xf32>
        %add3A_399 = arith.constant 2 : i32
        %add3A_400 = arith.addi %mul3A_64, %add3A_399 : i32
        %get3A_401 = arith.index_cast %add3A_400 : i32 to index
        %get3A_402 = arith.constant 80 : index
        %get3A_403 = tpu.vector_load %arg7[%get3A_401, %get3A_402] {strides = array<i32>} : memref<128x128xf32, #tpu.memory_space<vmem>>, vector<1x16xf32>,
        %get3A_404 = vector.shape_cast %get3A_403 : vector<1x16xf32> to vector<16xf32>
        %add3A_405 = arith.constant 3 : i32
        %add3A_406 = arith.addi %mul3A_64, %add3A_405 : i32
        %get3A_407 = arith.index_cast %add3A_406 : i32 to index
        %get3A_408 = arith.constant 80 : index
        %get3A_409 = tpu.vector_load %arg7[%get3A_407, %get3A_408] {strides = array<i32>} : memref<128x128xf32, #tpu.memory_space<vmem>>, vector<1x16xf32>,
        %get3A_410 = vector.shape_cast %get3A_409 : vector<1x16xf32> to vector<16xf32>
        %add3A_411 = arith.constant 4 : i32
        %add3A_412 = arith.addi %mul3A_64, %add3A_411 : i32
        %get3A_413 = arith.index_cast %add3A_412 : i32 to index
        %get3A_414 = arith.constant 80 : index
        %get3A_415 = tpu.vector_load %arg7[%get3A_413, %get3A_414] {strides = array<i32>} : memref<128x128xf32, #tpu.memory_space<vmem>>, vector<1x16xf32>,
        %get3A_416 = vector.shape_cast %get3A_415 : vector<1x16xf32> to vector<16xf32>
        %add3A_417 = arith.constant 5 : i32
        %add3A_418 = arith.addi %mul3A_64, %add3A_417 : i32
        %get3A_419 = arith.index_cast %add3A_418 : i32 to index
        %get3A_420 = arith.constant 80 : index
        %get3A_421 = tpu.vector_load %arg7[%get3A_419, %get3A_420] {strides = array<i32>} : memref<128x128xf32, #tpu.memory_space<vmem>>, vector<1x16xf32>,
        %get3A_422 = vector.shape_cast %get3A_421 : vector<1x16xf32> to vector<16xf32>
        %add3A_423 = arith.constant 6 : i32
        %add3A_424 = arith.addi %mul3A_64, %add3A_423 : i32
        %get3A_425 = arith.index_cast %add3A_424 : i32 to index
        %get3A_426 = arith.constant 80 : index
        %get3A_427 = tpu.vector_load %arg7[%get3A_425, %get3A_426] {strides = array<i32>} : memref<128x128xf32, #tpu.memory_space<vmem>>, vector<1x16xf32>,
        %get3A_428 = vector.shape_cast %get3A_427 : vector<1x16xf32> to vector<16xf32>
        %add3A_429 = arith.constant 7 : i32
        %add3A_430 = arith.addi %mul3A_64, %add3A_429 : i32
        %get3A_431 = arith.index_cast %add3A_430 : i32 to index
        %get3A_432 = arith.constant 80 : index
        %get3A_433 = tpu.vector_load %arg7[%get3A_431, %get3A_432] {strides = array<i32>} : memref<128x128xf32, #tpu.memory_space<vmem>>, vector<1x16xf32>,
        %get3A_434 = vector.shape_cast %get3A_433 : vector<1x16xf32> to vector<16xf32>
        %add3A_435 = arith.addf %get3A_392, %get3A_398 : vector<16xf32>
        %add3A_436 = arith.addf %get3A_404, %get3A_410 : vector<16xf32>
        %add3A_437 = arith.addf %get3A_416, %get3A_422 : vector<16xf32>
        %add3A_438 = arith.addf %get3A_428, %get3A_434 : vector<16xf32>
        %mul3A_439 = arith.mulf %add3A_435, %add3A_435 : vector<16xf32>
        %mul3A_440 = arith.mulf %add3A_436, %add3A_436 : vector<16xf32>
        %mul3A_441 = arith.mulf %add3A_437, %add3A_437 : vector<16xf32>
        %mul3A_442 = arith.mulf %add3A_438, %add3A_438 : vector<16xf32>
        %mul3A_443 = arith.mulf %add3A_435, %add3A_436 : vector<16xf32>
        %mul3A_444 = arith.mulf %add3A_435, %add3A_437 : vector<16xf32>
        %mul3A_445 = arith.mulf %add3A_436, %add3A_438 : vector<16xf32>
        %add3A_446 = arith.addf %add3A_380, %mul3A_439 : vector<16xf32>
        %add3A_447 = arith.addf %add3A_381, %mul3A_440 : vector<16xf32>
        %add3A_448 = arith.addf %add3A_382, %mul3A_441 : vector<16xf32>
        %add3A_449 = arith.addf %add3A_383, %mul3A_442 : vector<16xf32>
        %add3A_450 = arith.addf %add3A_384, %mul3A_443 : vector<16xf32>
        %add3A_451 = arith.addf %add3A_385, %mul3A_444 : vector<16xf32>
        %add3A_452 = arith.addf %add3A_386, %mul3A_445 : vector<16xf32>
        %add3A_453 = arith.constant 0 : i32
        %add3A_454 = arith.addi %mul3A_64, %add3A_453 : i32
        %get3A_455 = arith.index_cast %add3A_454 : i32 to index
        %get3A_456 = arith.constant 96 : index
        %get3A_457 = tpu.vector_load %arg7[%get3A_455, %get3A_456] {strides = array<i32>} : memref<128x128xf32, #tpu.memory_space<vmem>>, vector<1x16xf32>,
        %get3A_458 = vector.shape_cast %get3A_457 : vector<1x16xf32> to vector<16xf32>
        %add3A_459 = arith.constant 1 : i32
        %add3A_460 = arith.addi %mul3A_64, %add3A_459 : i32
        %get3A_461 = arith.index_cast %add3A_460 : i32 to index
        %get3A_462 = arith.constant 96 : index
        %get3A_463 = tpu.vector_load %arg7[%get3A_461, %get3A_462] {strides = array<i32>} : memref<128x128xf32, #tpu.memory_space<vmem>>, vector<1x16xf32>,
        %get3A_464 = vector.shape_cast %get3A_463 : vector<1x16xf32> to vector<16xf32>
        %add3A_465 = arith.constant 2 : i32
        %add3A_466 = arith.addi %mul3A_64, %add3A_465 : i32
        %get3A_467 = arith.index_cast %add3A_466 : i32 to index
        %get3A_468 = arith.constant 96 : index
        %get3A_469 = tpu.vector_load %arg7[%get3A_467, %get3A_468] {strides = array<i32>} : memref<128x128xf32, #tpu.memory_space<vmem>>, vector<1x16xf32>,
        %get3A_470 = vector.shape_cast %get3A_469 : vector<1x16xf32> to vector<16xf32>
        %add3A_471 = arith.constant 3 : i32
        %add3A_472 = arith.addi %mul3A_64, %add3A_471 : i32
        %get3A_473 = arith.index_cast %add3A_472 : i32 to index
        %get3A_474 = arith.constant 96 : index
        %get3A_475 = tpu.vector_load %arg7[%get3A_473, %get3A_474] {strides = array<i32>} : memref<128x128xf32, #tpu.memory_space<vmem>>, vector<1x16xf32>,
        %get3A_476 = vector.shape_cast %get3A_475 : vector<1x16xf32> to vector<16xf32>
        %add3A_477 = arith.constant 4 : i32
        %add3A_478 = arith.addi %mul3A_64, %add3A_477 : i32
        %get3A_479 = arith.index_cast %add3A_478 : i32 to index
        %get3A_480 = arith.constant 96 : index
        %get3A_481 = tpu.vector_load %arg7[%get3A_479, %get3A_480] {strides = array<i32>} : memref<128x128xf32, #tpu.memory_space<vmem>>, vector<1x16xf32>,
        %get3A_482 = vector.shape_cast %get3A_481 : vector<1x16xf32> to vector<16xf32>
        %add3A_483 = arith.constant 5 : i32
        %add3A_484 = arith.addi %mul3A_64, %add3A_483 : i32
        %get3A_485 = arith.index_cast %add3A_484 : i32 to index
        %get3A_486 = arith.constant 96 : index
        %get3A_487 = tpu.vector_load %arg7[%get3A_485, %get3A_486] {strides = array<i32>} : memref<128x128xf32, #tpu.memory_space<vmem>>, vector<1x16xf32>,
        %get3A_488 = vector.shape_cast %get3A_487 : vector<1x16xf32> to vector<16xf32>
        %add3A_489 = arith.constant 6 : i32
        %add3A_490 = arith.addi %mul3A_64, %add3A_489 : i32
        %get3A_491 = arith.index_cast %add3A_490 : i32 to index
        %get3A_492 = arith.constant 96 : index
        %get3A_493 = tpu.vector_load %arg7[%get3A_491, %get3A_492] {strides = array<i32>} : memref<128x128xf32, #tpu.memory_space<vmem>>, vector<1x16xf32>,
        %get3A_494 = vector.shape_cast %get3A_493 : vector<1x16xf32> to vector<16xf32>
        %add3A_495 = arith.constant 7 : i32
        %add3A_496 = arith.addi %mul3A_64, %add3A_495 : i32
        %get3A_497 = arith.index_cast %add3A_496 : i32 to index
        %get3A_498 = arith.constant 96 : index
        %get3A_499 = tpu.vector_load %arg7[%get3A_497, %get3A_498] {strides = array<i32>} : memref<128x128xf32, #tpu.memory_space<vmem>>, vector<1x16xf32>,
        %get3A_500 = vector.shape_cast %get3A_499 : vector<1x16xf32> to vector<16xf32>
        %add3A_501 = arith.addf %get3A_458, %get3A_464 : vector<16xf32>
        %add3A_502 = arith.addf %get3A_470, %get3A_476 : vector<16xf32>
        %add3A_503 = arith.addf %get3A_482, %get3A_488 : vector<16xf32>
        %add3A_504 = arith.addf %get3A_494, %get3A_500 : vector<16xf32>
        %mul3A_505 = arith.mulf %add3A_501, %add3A_501 : vector<16xf32>
        %mul3A_506 = arith.mulf %add3A_502, %add3A_502 : vector<16xf32>
        %mul3A_507 = arith.mulf %add3A_503, %add3A_503 : vector<16xf32>
        %mul3A_508 = arith.mulf %add3A_504, %add3A_504 : vector<16xf32>
        %mul3A_509 = arith.mulf %add3A_501, %add3A_502 : vector<16xf32>
        %mul3A_510 = arith.mulf %add3A_501, %add3A_503 : vector<16xf32>
        %mul3A_511 = arith.mulf %add3A_502, %add3A_504 : vector<16xf32>
        %add3A_512 = arith.addf %add3A_446, %mul3A_505 : vector<16xf32>
        %add3A_513 = arith.addf %add3A_447, %mul3A_506 : vector<16xf32>
        %add3A_514 = arith.addf %add3A_448, %mul3A_507 : vector<16xf32>
        %add3A_515 = arith.addf %add3A_449, %mul3A_508 : vector<16xf32>
        %add3A_516 = arith.addf %add3A_450, %mul3A_509 : vector<16xf32>
        %add3A_517 = arith.addf %add3A_451, %mul3A_510 : vector<16xf32>
        %add3A_518 = arith.addf %add3A_452, %mul3A_511 : vector<16xf32>
        %add3A_519 = arith.constant 0 : i32
        %add3A_520 = arith.addi %mul3A_64, %add3A_519 : i32
        %get3A_521 = arith.index_cast %add3A_520 : i32 to index
        %get3A_522 = arith.constant 112 : index
        %get3A_523 = tpu.vector_load %arg7[%get3A_521, %get3A_522] {strides = array<i32>} : memref<128x128xf32, #tpu.memory_space<vmem>>, vector<1x16xf32>,
        %get3A_524 = vector.shape_cast %get3A_523 : vector<1x16xf32> to vector<16xf32>
        %add3A_525 = arith.constant 1 : i32
        %add3A_526 = arith.addi %mul3A_64, %add3A_525 : i32
        %get3A_527 = arith.index_cast %add3A_526 : i32 to index
        %get3A_528 = arith.constant 112 : index
        %get3A_529 = tpu.vector_load %arg7[%get3A_527, %get3A_528] {strides = array<i32>} : memref<128x128xf32, #tpu.memory_space<vmem>>, vector<1x16xf32>,
        %get3A_530 = vector.shape_cast %get3A_529 : vector<1x16xf32> to vector<16xf32>
        %add3A_531 = arith.constant 2 : i32
        %add3A_532 = arith.addi %mul3A_64, %add3A_531 : i32
        %get3A_533 = arith.index_cast %add3A_532 : i32 to index
        %get3A_534 = arith.constant 112 : index
        %get3A_535 = tpu.vector_load %arg7[%get3A_533, %get3A_534] {strides = array<i32>} : memref<128x128xf32, #tpu.memory_space<vmem>>, vector<1x16xf32>,
        %get3A_536 = vector.shape_cast %get3A_535 : vector<1x16xf32> to vector<16xf32>
        %add3A_537 = arith.constant 3 : i32
        %add3A_538 = arith.addi %mul3A_64, %add3A_537 : i32
        %get3A_539 = arith.index_cast %add3A_538 : i32 to index
        %get3A_540 = arith.constant 112 : index
        %get3A_541 = tpu.vector_load %arg7[%get3A_539, %get3A_540] {strides = array<i32>} : memref<128x128xf32, #tpu.memory_space<vmem>>, vector<1x16xf32>,
        %get3A_542 = vector.shape_cast %get3A_541 : vector<1x16xf32> to vector<16xf32>
        %add3A_543 = arith.constant 4 : i32
        %add3A_544 = arith.addi %mul3A_64, %add3A_543 : i32
        %get3A_545 = arith.index_cast %add3A_544 : i32 to index
        %get3A_546 = arith.constant 112 : index
        %get3A_547 = tpu.vector_load %arg7[%get3A_545, %get3A_546] {strides = array<i32>} : memref<128x128xf32, #tpu.memory_space<vmem>>, vector<1x16xf32>,
        %get3A_548 = vector.shape_cast %get3A_547 : vector<1x16xf32> to vector<16xf32>
        %add3A_549 = arith.constant 5 : i32
        %add3A_550 = arith.addi %mul3A_64, %add3A_549 : i32
        %get3A_551 = arith.index_cast %add3A_550 : i32 to index
        %get3A_552 = arith.constant 112 : index
        %get3A_553 = tpu.vector_load %arg7[%get3A_551, %get3A_552] {strides = array<i32>} : memref<128x128xf32, #tpu.memory_space<vmem>>, vector<1x16xf32>,
        %get3A_554 = vector.shape_cast %get3A_553 : vector<1x16xf32> to vector<16xf32>
        %add3A_555 = arith.constant 6 : i32
        %add3A_556 = arith.addi %mul3A_64, %add3A_555 : i32
        %get3A_557 = arith.index_cast %add3A_556 : i32 to index
        %get3A_558 = arith.constant 112 : index
        %get3A_559 = tpu.vector_load %arg7[%get3A_557, %get3A_558] {strides = array<i32>} : memref<128x128xf32, #tpu.memory_space<vmem>>, vector<1x16xf32>,
        %get3A_560 = vector.shape_cast %get3A_559 : vector<1x16xf32> to vector<16xf32>
        %add3A_561 = arith.constant 7 : i32
        %add3A_562 = arith.addi %mul3A_64, %add3A_561 : i32
        %get3A_563 = arith.index_cast %add3A_562 : i32 to index
        %get3A_564 = arith.constant 112 : index
        %get3A_565 = tpu.vector_load %arg7[%get3A_563, %get3A_564] {strides = array<i32>} : memref<128x128xf32, #tpu.memory_space<vmem>>, vector<1x16xf32>,
        %get3A_566 = vector.shape_cast %get3A_565 : vector<1x16xf32> to vector<16xf32>
        %add3A_567 = arith.addf %get3A_524, %get3A_530 : vector<16xf32>
        %add3A_568 = arith.addf %get3A_536, %get3A_542 : vector<16xf32>
        %add3A_569 = arith.addf %get3A_548, %get3A_554 : vector<16xf32>
        %add3A_570 = arith.addf %get3A_560, %get3A_566 : vector<16xf32>
        %mul3A_571 = arith.mulf %add3A_567, %add3A_567 : vector<16xf32>
        %mul3A_572 = arith.mulf %add3A_568, %add3A_568 : vector<16xf32>
        %mul3A_573 = arith.mulf %add3A_569, %add3A_569 : vector<16xf32>
        %mul3A_574 = arith.mulf %add3A_570, %add3A_570 : vector<16xf32>
        %mul3A_575 = arith.mulf %add3A_567, %add3A_568 : vector<16xf32>
        %mul3A_576 = arith.mulf %add3A_567, %add3A_569 : vector<16xf32>
        %mul3A_577 = arith.mulf %add3A_568, %add3A_570 : vector<16xf32>
        %add3A_578 = arith.addf %add3A_512, %mul3A_571 : vector<16xf32>
        %add3A_579 = arith.addf %add3A_513, %mul3A_572 : vector<16xf32>
        %add3A_580 = arith.addf %add3A_514, %mul3A_573 : vector<16xf32>
        %add3A_581 = arith.addf %add3A_515, %mul3A_574 : vector<16xf32>
        %add3A_582 = arith.addf %add3A_516, %mul3A_575 : vector<16xf32>
        %add3A_583 = arith.addf %add3A_517, %mul3A_576 : vector<16xf32>
        %add3A_584 = arith.addf %add3A_518, %mul3A_577 : vector<16xf32>
        %mul3A_585 = arith.constant 16 : i32
        %mul3A_586 = arith.muli %add3A_42, %mul3A_585 : i32
        %add3A_587 = arith.addi %mul3A_586, %scan3A_62 : i32
        %swap3A = arith.index_cast %add3A_587 : i32 to index
        %swap3A_588 = arith.constant 0 : index
        %swap3A_589 = tpu.vector_load %arg8[%swap3A, %swap3A_588] {strides = array<i32>} : memref<128x128xf32, #tpu.memory_space<vmem>>, vector<1x16xf32>,
        %swap3A_590 = vector.shape_cast %swap3A_589 : vector<1x16xf32> to vector<16xf32>
        %swap3A_591 = vector.shape_cast %add3A_578 : vector<16xf32> to vector<1x16xf32>
        tpu.vector_store %arg8[%swap3A, %swap3A_588], %swap3A_591 {strides = array<i32>} : memref<128x128xf32, #tpu.memory_space<vmem>>, vector<1x16xf32>,
        %swap3A_592 = arith.index_cast %add3A_587 : i32 to index
        %swap3A_593 = arith.constant 16 : index
        %swap3A_594 = tpu.vector_load %arg8[%swap3A_592, %swap3A_593] {strides = array<i32>} : memref<128x128xf32, #tpu.memory_space<vmem>>, vector<1x16xf32>,
        %swap3A_595 = vector.shape_cast %swap3A_594 : vector<1x16xf32> to vector<16xf32>
        %swap3A_596 = vector.shape_cast %add3A_579 : vector<16xf32> to vector<1x16xf32>
        tpu.vector_store %arg8[%swap3A_592, %swap3A_593], %swap3A_596 {strides = array<i32>} : memref<128x128xf32, #tpu.memory_space<vmem>>, vector<1x16xf32>,
        %swap3A_597 = arith.index_cast %add3A_587 : i32 to index
        %swap3A_598 = arith.constant 32 : index
        %swap3A_599 = tpu.vector_load %arg8[%swap3A_597, %swap3A_598] {strides = array<i32>} : memref<128x128xf32, #tpu.memory_space<vmem>>, vector<1x16xf32>,
        %swap3A_600 = vector.shape_cast %swap3A_599 : vector<1x16xf32> to vector<16xf32>
        %swap3A_601 = vector.shape_cast %add3A_580 : vector<16xf32> to vector<1x16xf32>
        tpu.vector_store %arg8[%swap3A_597, %swap3A_598], %swap3A_601 {strides = array<i32>} : memref<128x128xf32, #tpu.memory_space<vmem>>, vector<1x16xf32>,
        %swap3A_602 = arith.index_cast %add3A_587 : i32 to index
        %swap3A_603 = arith.constant 48 : index
        %swap3A_604 = tpu.vector_load %arg8[%swap3A_602, %swap3A_603] {strides = array<i32>} : memref<128x128xf32, #tpu.memory_space<vmem>>, vector<1x16xf32>,
        %swap3A_605 = vector.shape_cast %swap3A_604 : vector<1x16xf32> to vector<16xf32>
        %swap3A_606 = vector.shape_cast %add3A_581 : vector<16xf32> to vector<1x16xf32>
        tpu.vector_store %arg8[%swap3A_602, %swap3A_603], %swap3A_606 {strides = array<i32>} : memref<128x128xf32, #tpu.memory_space<vmem>>, vector<1x16xf32>,
        %swap3A_607 = arith.index_cast %add3A_587 : i32 to index
        %swap3A_608 = arith.constant 64 : index
        %swap3A_609 = tpu.vector_load %arg8[%swap3A_607, %swap3A_608] {strides = array<i32>} : memref<128x128xf32, #tpu.memory_space<vmem>>, vector<1x16xf32>,
        %swap3A_610 = vector.shape_cast %swap3A_609 : vector<1x16xf32> to vector<16xf32>
        %swap3A_611 = vector.shape_cast %add3A_582 : vector<16xf32> to vector<1x16xf32>
        tpu.vector_store %arg8[%swap3A_607, %swap3A_608], %swap3A_611 {strides = array<i32>} : memref<128x128xf32, #tpu.memory_space<vmem>>, vector<1x16xf32>,
        %swap3A_612 = arith.index_cast %add3A_587 : i32 to index
        %swap3A_613 = arith.constant 80 : index
        %swap3A_614 = tpu.vector_load %arg8[%swap3A_612, %swap3A_613] {strides = array<i32>} : memref<128x128xf32, #tpu.memory_space<vmem>>, vector<1x16xf32>,
        %swap3A_615 = vector.shape_cast %swap3A_614 : vector<1x16xf32> to vector<16xf32>
        %swap3A_616 = vector.shape_cast %add3A_583 : vector<16xf32> to vector<1x16xf32>
        tpu.vector_store %arg8[%swap3A_612, %swap3A_613], %swap3A_616 {strides = array<i32>} : memref<128x128xf32, #tpu.memory_space<vmem>>, vector<1x16xf32>,
        %swap3A_617 = arith.index_cast %add3A_587 : i32 to index
        %swap3A_618 = arith.constant 96 : index
        %swap3A_619 = tpu.vector_load %arg8[%swap3A_617, %swap3A_618] {strides = array<i32>} : memref<128x128xf32, #tpu.memory_space<vmem>>, vector<1x16xf32>,
        %swap3A_620 = vector.shape_cast %swap3A_619 : vector<1x16xf32> to vector<16xf32>
        %swap3A_621 = vector.shape_cast %add3A_584 : vector<16xf32> to vector<1x16xf32>
        tpu.vector_store %arg8[%swap3A_617, %swap3A_618], %swap3A_621 {strides = array<i32>} : memref<128x128xf32, #tpu.memory_space<vmem>>, vector<1x16xf32>,
        %broadcast_in_dim3A = arith.constant 0.000000e+00 : f32
        %broadcast_in_dim3A_622 = vector.broadcast %broadcast_in_dim3A : f32 to vector<16xf32>
        %swap3A_623 = arith.index_cast %add3A_587 : i32 to index
        %swap3A_624 = arith.constant 112 : index
        %swap3A_625 = tpu.vector_load %arg8[%swap3A_623, %swap3A_624] {strides = array<i32>} : memref<128x128xf32, #tpu.memory_space<vmem>>, vector<1x16xf32>,
        %swap3A_626 = vector.shape_cast %swap3A_625 : vector<1x16xf32> to vector<16xf32>
        %swap3A_627 = vector.shape_cast %broadcast_in_dim3A_622 : vector<16xf32> to vector<1x16xf32>
        tpu.vector_store %arg8[%swap3A_623, %swap3A_624], %swap3A_627 {strides = array<i32>} : memref<128x128xf32, #tpu.memory_space<vmem>>, vector<1x16xf32>,
      }
      %scan3A_54 = arith.constant 16 : i32
      %add3A_55 = arith.constant 2 : i32
      %add3A_56 = arith.addi %add3A_42, %add3A_55 : i32
      %lt3A_57 = arith.constant 8 : i32
      %lt3A_58 = arith.cmpi slt, %add3A_56, %lt3A_57 : i32
      %convert_element_type3A_59 = arith.extui %lt3A_58 : i1 to i32
      %cond3A_60 = arith.constant 0 : i32
      %cond3A_61 = arith.cmpi ne, %convert_element_type3A_59, %cond3A_60 : i32
      scf.if %cond3A_61 {
        %mul3A_62 = arith.constant 128 : i32
        %mul3A_63 = arith.muli %add3A_56, %mul3A_62 : i32
        %dma_start3A_64 = tpu.memref_slice %arg5[%mul3A_63] : memref<1024xi32, #tpu.memory_space<vmem>> -> memref<128xi32, #tpu.memory_space<vmem>>
        %dma_start3A_65 = arith.constant 0 : i32
        %dma_start3A_66 = arith.constant 0 : i32
        %dma_start3A_67 = tpu.memref_slice %arg2[%dma_start3A_65, %dma_start3A_66] : memref<100000x128xf32, #tpu.memory_space<hbm>> -> memref<100000x128xf32, #tpu.memory_space<hbm>>
        tpu.enqueue_indirect_dma source(%dma_start3A_67 : memref<100000x128xf32, #tpu.memory_space<hbm>>) target(%arg7 : memref<128x128xf32, #tpu.memory_space<vmem>>) offsets(%dma_start3A_64 : memref<128xi32, #tpu.memory_space<vmem>>) semaphore(%arg10 : memref<!tpu.dma_semaphore, #tpu.memory_space<semaphore_mem>>)
      } else {
      }
    }
    %scan3A_18 = arith.constant 4 : i32
    "tpu.region"() ({
      %run_scoped3A = tpu.sem_alloc : memref<!tpu.dma_semaphore, #tpu.memory_space<semaphore_mem>>
      %dma_start3A_19 = arith.constant 0 : i32
      %dma_start3A_20 = tpu.memref_slice %arg4[%mul3A_2, %dma_start3A_19] : memref<4096x128xf32, #tpu.memory_space<hbm>> -> memref<128x128xf32, #tpu.memory_space<hbm>>
      %dma_start3A_21 = arith.constant 0 : i32
      %dma_start3A_22 = tpu.memref_slice %arg4[%mul3A_2, %dma_start3A_21] : memref<4096x128xf32, #tpu.memory_space<hbm>> -> memref<128x128xf32, #tpu.memory_space<hbm>>
      tpu.enqueue_dma source(%arg8 : memref<128x128xf32, #tpu.memory_space<vmem>>) target(%dma_start3A_22 : memref<128x128xf32, #tpu.memory_space<hbm>>) target_semaphore(%run_scoped3A : memref<!tpu.dma_semaphore, #tpu.memory_space<semaphore_mem>>)
      %dma_wait3A = arith.constant 0 : i32
      %dma_wait3A_23 = tpu.memref_slice %arg4[%mul3A_2, %dma_wait3A] : memref<4096x128xf32, #tpu.memory_space<hbm>> -> memref<128x128xf32, #tpu.memory_space<hbm>>
      %dma_wait3A_24 = arith.constant 0 : i32
      %dma_wait3A_25 = tpu.memref_slice %arg4[%mul3A_2, %dma_wait3A_24] : memref<4096x128xf32, #tpu.memory_space<hbm>> -> memref<128x128xf32, #tpu.memory_space<hbm>>
      tpu.wait_dma2 semaphore(%run_scoped3A : memref<!tpu.dma_semaphore, #tpu.memory_space<semaphore_mem>>) src(%arg8 : memref<128x128xf32, #tpu.memory_space<vmem>>) dst(%dma_wait3A_25 : memref<128x128xf32, #tpu.memory_space<hbm>>)
      tpu.yield
    }) : () -> ()
    return
  }
}

module attributes {stable_mosaic.version = 14 : i64} {
  func.func @body(%arg0: memref<1x1xi32, #tpu.memory_space<smem>>, %arg1: memref<4096x128xf32, #tpu.memory_space<vmem>>, %arg2: memref<1x1xf32, #tpu.memory_space<smem>>) attributes {dimension_semantics = [], scalar_prefetch = 0 : i64, scratch_operands = 0 : i64, tpu.core_type = #tpu.core_type<tc>} {
    %get3A = arith.constant 0 : index
    %get3A_0 = arith.constant 0 : index
    %get3A_1 = vector.load %arg1[%get3A, %get3A_0] : memref<4096x128xf32, #tpu.memory_space<vmem>>, vector<4096x128xf32>
    %iota3A = tpu.iota {dimensions = array<i32: 0>} : vector<8x128xi32>
    %iota3A_2 = tpu.iota {dimensions = array<i32: 1>} : vector<8x128xi32>
    %div3A = arith.constant 16 : i32
    %div3A_3 = vector.broadcast %div3A : i32 to vector<8x128xi32>
    %div3A_4 = arith.divsi %iota3A_2, %div3A_3 : vector<8x128xi32>
    %eq3A = arith.cmpi eq, %div3A_4, %iota3A : vector<8x128xi32>
    %convert_element_type3A = arith.extui %eq3A : vector<8x128xi1> to vector<8x128xi32>
    %convert_element_type3A_5 = arith.sitofp %convert_element_type3A : vector<8x128xi32> to vector<8x128xf32>
    %dot_general3A = arith.constant dense<0.000000e+00> : vector<8x4096xf32>
    %dot_general3A_6 = tpu.matmul %convert_element_type3A_5, %get3A_1, %dot_general3A {dimension_numbers = #tpu.dot_dimension_numbers<[1], [1], [0], [0], [0, 0, 1, 0], [], []>, transpose_lhs_hint = false} : vector<8x128xf32>, vector<4096x128xf32>, vector<8x4096xf32> -> vector<8x4096xf32>
    %slice3A = vector.extract_strided_slice %dot_general3A_6 {offsets = [0, 0], sizes = [1, 4096], strides = [1, 1]} : vector<8x4096xf32> to vector<1x4096xf32>
    %squeeze3A = vector.shape_cast %slice3A : vector<1x4096xf32> to vector<4096xf32>
    %slice3A_7 = vector.extract_strided_slice %dot_general3A_6 {offsets = [1, 0], sizes = [1, 4096], strides = [1, 1]} : vector<8x4096xf32> to vector<1x4096xf32>
    %squeeze3A_8 = vector.shape_cast %slice3A_7 : vector<1x4096xf32> to vector<4096xf32>
    %slice3A_9 = vector.extract_strided_slice %dot_general3A_6 {offsets = [2, 0], sizes = [1, 4096], strides = [1, 1]} : vector<8x4096xf32> to vector<1x4096xf32>
    %squeeze3A_10 = vector.shape_cast %slice3A_9 : vector<1x4096xf32> to vector<4096xf32>
    %slice3A_11 = vector.extract_strided_slice %dot_general3A_6 {offsets = [3, 0], sizes = [1, 4096], strides = [1, 1]} : vector<8x4096xf32> to vector<1x4096xf32>
    %squeeze3A_12 = vector.shape_cast %slice3A_11 : vector<1x4096xf32> to vector<4096xf32>
    %slice3A_13 = vector.extract_strided_slice %dot_general3A_6 {offsets = [4, 0], sizes = [1, 4096], strides = [1, 1]} : vector<8x4096xf32> to vector<1x4096xf32>
    %squeeze3A_14 = vector.shape_cast %slice3A_13 : vector<1x4096xf32> to vector<4096xf32>
    %slice3A_15 = vector.extract_strided_slice %dot_general3A_6 {offsets = [5, 0], sizes = [1, 4096], strides = [1, 1]} : vector<8x4096xf32> to vector<1x4096xf32>
    %squeeze3A_16 = vector.shape_cast %slice3A_15 : vector<1x4096xf32> to vector<4096xf32>
    %slice3A_17 = vector.extract_strided_slice %dot_general3A_6 {offsets = [6, 0], sizes = [1, 4096], strides = [1, 1]} : vector<8x4096xf32> to vector<1x4096xf32>
    %squeeze3A_18 = vector.shape_cast %slice3A_17 : vector<1x4096xf32> to vector<4096xf32>
    %sqrt3A = math.sqrt %squeeze3A : vector<4096xf32>
    %mul3A = arith.constant 5.000000e-01 : f32
    %mul3A_19 = vector.broadcast %mul3A : f32 to vector<4096xf32>
    %mul3A_20 = arith.mulf %mul3A_19, %sqrt3A : vector<4096xf32>
    %sqrt3A_21 = math.sqrt %squeeze3A_8 : vector<4096xf32>
    %mul3A_22 = arith.constant 5.000000e-01 : f32
    %mul3A_23 = vector.broadcast %mul3A_22 : f32 to vector<4096xf32>
    %mul3A_24 = arith.mulf %mul3A_23, %sqrt3A_21 : vector<4096xf32>
    %sqrt3A_25 = math.sqrt %squeeze3A_10 : vector<4096xf32>
    %mul3A_26 = arith.constant 5.000000e-01 : f32
    %mul3A_27 = vector.broadcast %mul3A_26 : f32 to vector<4096xf32>
    %mul3A_28 = arith.mulf %mul3A_27, %sqrt3A_25 : vector<4096xf32>
    %sqrt3A_29 = math.sqrt %squeeze3A_12 : vector<4096xf32>
    %mul3A_30 = arith.constant 5.000000e-01 : f32
    %mul3A_31 = vector.broadcast %mul3A_30 : f32 to vector<4096xf32>
    %mul3A_32 = arith.mulf %mul3A_31, %sqrt3A_29 : vector<4096xf32>
    %max3A = arith.constant 9.99999996E-13 : f32
    %max3A_33 = vector.broadcast %max3A : f32 to vector<4096xf32>
    %max3A_34 = arith.maximumf %mul3A_20, %max3A_33 : vector<4096xf32>
    %max3A_35 = arith.constant 9.99999996E-13 : f32
    %max3A_36 = vector.broadcast %max3A_35 : f32 to vector<4096xf32>
    %max3A_37 = arith.maximumf %mul3A_24, %max3A_36 : vector<4096xf32>
    %max3A_38 = arith.constant 9.99999996E-13 : f32
    %max3A_39 = vector.broadcast %max3A_38 : f32 to vector<4096xf32>
    %max3A_40 = arith.maximumf %mul3A_28, %max3A_39 : vector<4096xf32>
    %max3A_41 = arith.constant 9.99999996E-13 : f32
    %max3A_42 = vector.broadcast %max3A_41 : f32 to vector<4096xf32>
    %max3A_43 = arith.maximumf %mul3A_32, %max3A_42 : vector<4096xf32>
    %mul3A_44 = arith.constant 2.500000e-01 : f32
    %mul3A_45 = vector.broadcast %mul3A_44 : f32 to vector<4096xf32>
    %mul3A_46 = arith.mulf %mul3A_45, %squeeze3A_14 : vector<4096xf32>
    %mul3A_47 = arith.mulf %max3A_34, %max3A_37 : vector<4096xf32>
    %div3A_48 = arith.divf %mul3A_46, %mul3A_47 : vector<4096xf32>
    %mul3A_49 = arith.constant 2.500000e-01 : f32
    %mul3A_50 = vector.broadcast %mul3A_49 : f32 to vector<4096xf32>
    %mul3A_51 = arith.mulf %mul3A_50, %squeeze3A_16 : vector<4096xf32>
    %mul3A_52 = arith.mulf %max3A_34, %max3A_40 : vector<4096xf32>
    %div3A_53 = arith.divf %mul3A_51, %mul3A_52 : vector<4096xf32>
    %mul3A_54 = arith.constant 2.500000e-01 : f32
    %mul3A_55 = vector.broadcast %mul3A_54 : f32 to vector<4096xf32>
    %mul3A_56 = arith.mulf %mul3A_55, %squeeze3A_18 : vector<4096xf32>
    %mul3A_57 = arith.mulf %max3A_37, %max3A_43 : vector<4096xf32>
    %div3A_58 = arith.divf %mul3A_56, %mul3A_57 : vector<4096xf32>
    %add3A = arith.constant 6.000000e-01 : f32
    %add3A_59 = vector.broadcast %add3A : f32 to vector<4096xf32>
    %add3A_60 = arith.addf %add3A_59, %div3A_53 : vector<4096xf32>
    %sub3A = arith.subf %add3A_60, %div3A_48 : vector<4096xf32>
    %max3A_61 = arith.constant 0.000000e+00 : f32
    %max3A_62 = vector.broadcast %max3A_61 : f32 to vector<4096xf32>
    %max3A_63 = arith.maximumf %sub3A, %max3A_62 : vector<4096xf32>
    %add3A_64 = arith.constant 6.000000e-01 : f32
    %add3A_65 = vector.broadcast %add3A_64 : f32 to vector<4096xf32>
    %add3A_66 = arith.addf %add3A_65, %div3A_58 : vector<4096xf32>
    %sub3A_67 = arith.subf %add3A_66, %div3A_48 : vector<4096xf32>
    %max3A_68 = arith.constant 0.000000e+00 : f32
    %max3A_69 = vector.broadcast %max3A_68 : f32 to vector<4096xf32>
    %max3A_70 = arith.maximumf %sub3A_67, %max3A_69 : vector<4096xf32>
    %add3A_71 = arith.addf %max3A_63, %max3A_70 : vector<4096xf32>
    %sub3A_72 = arith.constant 0.000000e+00 : f32
    %sub3A_73 = vector.broadcast %sub3A_72 : f32 to vector<4096xf32>
    %sub3A_74 = arith.subf %sub3A_73, %div3A_53 : vector<4096xf32>
    %add3A_75 = arith.addf %sub3A_74, %div3A_48 : vector<4096xf32>
    %max3A_76 = arith.constant 0.000000e+00 : f32
    %max3A_77 = vector.broadcast %max3A_76 : f32 to vector<4096xf32>
    %max3A_78 = arith.maximumf %add3A_75, %max3A_77 : vector<4096xf32>
    %sub3A_79 = arith.constant 0.000000e+00 : f32
    %sub3A_80 = vector.broadcast %sub3A_79 : f32 to vector<4096xf32>
    %sub3A_81 = arith.subf %sub3A_80, %div3A_58 : vector<4096xf32>
    %add3A_82 = arith.addf %sub3A_81, %div3A_48 : vector<4096xf32>
    %max3A_83 = arith.constant 0.000000e+00 : f32
    %max3A_84 = vector.broadcast %max3A_83 : f32 to vector<4096xf32>
    %max3A_85 = arith.maximumf %add3A_82, %max3A_84 : vector<4096xf32>
    %add3A_86 = arith.addf %max3A_78, %max3A_85 : vector<4096xf32>
    %get3A_87 = arith.constant 0 : index
    %get3A_88 = arith.constant 0 : index
    %get3A_89 = memref.load %arg0[%get3A_87, %get3A_88] : memref<1x1xi32, #tpu.memory_space<smem>>
    %eq3A_90 = arith.constant 0 : i32
    %eq3A_91 = arith.cmpi eq, %get3A_89, %eq3A_90 : i32
    %select_n3A = arith.select %eq3A_91, %add3A_71, %add3A_86 : vector<4096xf32>
    %mul3A_92 = arith.constant 2.500000e-01 : f32
    %mul3A_93 = vector.broadcast %mul3A_92 : f32 to vector<4096xf32>
    %mul3A_94 = arith.mulf %mul3A_93, %squeeze3A : vector<4096xf32>
    %div3A_95 = arith.constant 1.000000e+00 : f32
    %div3A_96 = vector.broadcast %div3A_95 : f32 to vector<4096xf32>
    %div3A_97 = arith.divf %div3A_96, %max3A_34 : vector<4096xf32>
    %sub3A_98 = arith.constant 1.000000e+00 : f32
    %sub3A_99 = vector.broadcast %sub3A_98 : f32 to vector<4096xf32>
    %sub3A_100 = arith.subf %div3A_97, %sub3A_99 : vector<4096xf32>
    %integer_pow3A = arith.mulf %sub3A_100, %sub3A_100 : vector<4096xf32>
    %mul3A_101 = arith.mulf %mul3A_94, %integer_pow3A : vector<4096xf32>
    %mul3A_102 = arith.constant 2.500000e-01 : f32
    %mul3A_103 = vector.broadcast %mul3A_102 : f32 to vector<4096xf32>
    %mul3A_104 = arith.mulf %mul3A_103, %squeeze3A_8 : vector<4096xf32>
    %div3A_105 = arith.constant 1.000000e+00 : f32
    %div3A_106 = vector.broadcast %div3A_105 : f32 to vector<4096xf32>
    %div3A_107 = arith.divf %div3A_106, %max3A_37 : vector<4096xf32>
    %sub3A_108 = arith.constant 1.000000e+00 : f32
    %sub3A_109 = vector.broadcast %sub3A_108 : f32 to vector<4096xf32>
    %sub3A_110 = arith.subf %div3A_107, %sub3A_109 : vector<4096xf32>
    %integer_pow3A_111 = arith.mulf %sub3A_110, %sub3A_110 : vector<4096xf32>
    %mul3A_112 = arith.mulf %mul3A_104, %integer_pow3A_111 : vector<4096xf32>
    %reduce_sum3A = vector.shape_cast %mul3A_101 : vector<4096xf32> to vector<1x4096xf32>
    %reduce_sum3A_113 = arith.constant dense<0.000000e+00> : vector<1xf32>
    %reduce_sum3A_114 = vector.multi_reduction <add>, %reduce_sum3A, %reduce_sum3A_113 [1] : vector<1x4096xf32> to vector<1xf32>
    %reduce_sum3A_115 = vector.shape_cast %reduce_sum3A_114 : vector<1xf32> to vector<1x1xf32>
    %reduce_sum3A_116 = vector.extract %reduce_sum3A_115[0, 0] : f32 from vector<1x1xf32>
    %reduce_sum3A_117 = vector.shape_cast %mul3A_112 : vector<4096xf32> to vector<1x4096xf32>
    %reduce_sum3A_118 = arith.constant dense<0.000000e+00> : vector<1xf32>
    %reduce_sum3A_119 = vector.multi_reduction <add>, %reduce_sum3A_117, %reduce_sum3A_118 [1] : vector<1x4096xf32> to vector<1xf32>
    %reduce_sum3A_120 = vector.shape_cast %reduce_sum3A_119 : vector<1xf32> to vector<1x1xf32>
    %reduce_sum3A_121 = vector.extract %reduce_sum3A_120[0, 0] : f32 from vector<1x1xf32>
    %add3A_122 = arith.addf %reduce_sum3A_116, %reduce_sum3A_121 : f32
    %mul3A_123 = arith.constant 5.000000e-10 : f32
    %mul3A_124 = arith.mulf %mul3A_123, %add3A_122 : f32
    %reduce_sum3A_125 = vector.shape_cast %select_n3A : vector<4096xf32> to vector<1x4096xf32>
    %reduce_sum3A_126 = arith.constant dense<0.000000e+00> : vector<1xf32>
    %reduce_sum3A_127 = vector.multi_reduction <add>, %reduce_sum3A_125, %reduce_sum3A_126 [1] : vector<1x4096xf32> to vector<1xf32>
    %reduce_sum3A_128 = vector.shape_cast %reduce_sum3A_127 : vector<1xf32> to vector<1x1xf32>
    %reduce_sum3A_129 = vector.extract %reduce_sum3A_128[0, 0] : f32 from vector<1x1xf32>
    %mul3A_130 = arith.constant 4.096000e+03 : f32
    %mul3A_131 = arith.mulf %mul3A_130, %mul3A_124 : f32
    %add3A_132 = arith.addf %reduce_sum3A_129, %mul3A_131 : f32
    %swap3A = arith.constant 0 : index
    %swap3A_133 = arith.constant 0 : index
    %swap3A_134 = memref.load %arg2[%swap3A, %swap3A_133] : memref<1x1xf32, #tpu.memory_space<smem>>
    memref.store %add3A_132, %arg2[%swap3A, %swap3A_133] : memref<1x1xf32, #tpu.memory_space<smem>>
    return
  }
}

</mosaic_0001>

<sc_bundles>
// kernel: kernel.4.cloned.1.call-start
scs
__scs_entry_jumppad:
0x0: {  	(pc) =	sbr.rel $0x88, $3  }
0x1: {  	(tag) =	ssettag $0x0;
	lr =	simm.s32 $0x1  }
0x2: {  	[smem:$0x3F9D] =	sst lr;
	_ =	strace $0xD0000000  }
0x3: {  	_ = 	snop  }
0x4: {  	_ = 	snop  }
0x5: {  	_ = 	snop  }
0x6: {  	_ = 	snop  }
0x7: {  	_ = 	snop  }
__scs_overlays_trampoline_lowered:
0x8: {  	[smem:$0x3FAC] =	sst s0  }
0x9: {  	[smem:$0x3FAD] =	sst s1  }
0xa: {  	[smem:$0x3FAE] =	sst s2  }
0xb: {  	[smem:$0x3FAF] =	sst s3  }
0xc: {  	[smem:$0x3FB0] =	sst s4  }
0xd: {  	[smem:$0x3FB1] =	sst s5  }
0xe: {  	[smem:$0x3FB2] =	sst s6  }
0xf: {  	[smem:$0x3FB3] =	sst s7  }
0x10: {  	[smem:$0x3FB4] =	sst s8  }
0x11: {  	[smem:$0x3FB5] =	sst s9;
	s0 =	simm.s32 @!p0 $0x0  }
0x12: {  	s1 =	sld [smem:$0x3F9B];
	s0 =	simm.s32 @p0 $0x1  }
0x13: {  	[smem:$0x3FB6] =	sst s0;
	s0 =	simm.s32 @!p1 $0x0  }
0x14: {  	s2 =	sld [smem:$0x3F9A];
	s0 =	simm.s32 @p1 $0x1  }
0x15: {  	[smem:$0x3FB7] =	sst s0;
	s0 =	simm.s32 @!p2 $0x0  }
0x16: {  	s3 =	sld [smem:$0x3FDB];
	s0 =	simm.s32 @p2 $0x1  }
0x17: {  	s4 =	simm.s32 $0x1BF5;
	[smem:$0x3FB9] =	sst s0  }
0x18: {  	s0 =	sld [smem:$0x3F9C];
	_ =	swait.ge [sflag:s4], $0x0  }
0x19: {  	s7 =	sld [smem:$0x3F9D]  }
0x1a: {  	s8 =	sadd.s32 $0xFFFFE003, lr  }
0x1b: {  	s9 =	sadd.s32 $0xFFFFFEF7, lr;
	s5 =	simm.s32 $0xFFFFFFFF;
	p2 =	slt.u32 s8, $0xFFFFF086  }
0x1c: {  	p1 =	slt.u32 s9, $0xF7A;
	s5 =	simm.s32 @!p2 $0x0  }
0x1d: {  	s5 =	simm.s32 @p1 $0x1;
	p0 =	seq.s32 s7, s2  }
0x1e: {  	s7 =	smul.u32 @!p0 $0xF7A, s2;
	p2 =	seq.s32 @!p0 s5, $0x0  }
0x1f: {  	s9 =	smul.u32 $0xF7A, s1;
	s8 =	simm.s32 @!p0 $0x1BF5;
	p2 =	por !p2, p0  }
0x20: {  	[sflag:s8] =	ssyncset.s32 @!p0 $0xFFFFF086;
	s6 =	sadd.s32 @!p0 s3, s7;
	s7 =	simm.s32 @!p0 $0x108  }
0x21: {  	s3 =	sadd.s32 s3, s9;
	s6 =	sadd.s32 @!p0 $0x88, s6;
	s7 =	simm.s32 @p2 $0x1082  }
0x22: {  	[simem:s7], [sflag:s8] =	dma.local @!p0 [hbm:s6], $0xF7A  }
0x23: {  	s9 =	sor.u32 $0xD0000000, s2;
	s6 =	simm.s32 $0x108;
	_ =	swait.ge @!p0 [sflag:s8], $0x0  }
0x24: {  	s3 =	sadd.s32 $0x88, s3;
	s6 =	simm.s32 @!p1 $0x1082;
	[sflag:s4] =	ssyncset.s32 $0xFFFFF086  }
0x25: {  	[simem:s6], [sflag:s4] =	dma.local [hbm:s3], $0xF7A  }
0x26: {  	[smem:$0x3F9D] =	sst s1;
	(tag) =	ssettag s2;
	_ =	strace s9  }
0x27: {  	s1 =	sld [smem:$0x3FAD]  }
0x28: {  	s2 =	sld [smem:$0x3FAE]  }
0x29: {  	s4 =	sld [smem:$0x3FB0]  }
0x2a: {  	p0 =	seq.s32 s5, $0x0;
	s5 =	sld [smem:$0x3FB1]  }
0x2b: {  	s6 =	sld [smem:$0x3FB2]  }
0x2c: {  	s7 =	sld [smem:$0x3FB3]  }
0x2d: {  	s3 =	simm.s32 $0x108;
	s8 =	sld [smem:$0x3FB4]  }
0x2e: {  	s3 =	simm.s32 @!p0 $0x1082;
	s9 =	sld [smem:$0x3FB5]  }
0x2f: {  	lr =	sadd.s32 s0, s3;
	s0 =	sld [smem:$0x3FAC]  }
0x30: {  	s3 =	sld [smem:$0x3FAF]  }
0x31: {  	[smem:$0x3FB8] =	sst s10  }
0x32: {  	s10 =	sld [smem:$0x3FB6];
	_ =	sdelay $0x3  }
0x33: {  	p0 =	seq.s32 s10, $0x1;
	s10 =	sld [smem:$0x3FB8];
	_ =	sdelay $0x3  }
0x34: {  	[smem:$0x3FB8] =	sst s10  }
0x35: {  	s10 =	sld [smem:$0x3FB7];
	_ =	sdelay $0x3  }
0x36: {  	p1 =	seq.s32 s10, $0x1;
	s10 =	sld [smem:$0x3FB8];
	_ =	sdelay $0x3  }
0x37: {  	[smem:$0x3FB8] =	sst s10  }
0x38: {  	s10 =	sld [smem:$0x3FB9]  }
0x39: {  	_ = 	snop;
	(pc) =	sbr.ind lr, $3  }
0x3a: {  	_ = 	snop  }
0x3b: {  	_ = 	snop  }
0x3c: {  	p2 =	seq.s32 s10, $0x1;
	s10 =	sld [smem:$0x3FB8]  }
0x3d: {  	_ =	shalt  }
0x3e: {  	_ =	shalt  }
0x3f: {  	_ =	shalt  }
0x40: {  	_ =	shalt  }
0x41: {  	_ =	shalt  }
0x42: {  	_ =	shalt  }
0x43: {  	_ =	shalt  }
0x44: {  	_ =	shalt  }
0x45: {  	_ =	shalt  }
0x46: {  	_ =	shalt  }
0x47: {  	_ =	shalt  }
0x48: {  	_ =	shalt  }
0x49: {  	_ =	shalt  }
0x4a: {  	_ =	shalt  }
0x4b: {  	_ =	shalt  }
0x4c: {  	_ =	shalt  }
0x4d: {  	_ =	shalt  }
0x4e: {  	_ =	shalt  }
0x4f: {  	_ =	shalt  }
0x50: {  	_ =	shalt  }
0x51: {  	_ =	shalt  }
0x52: {  	_ =	shalt  }
0x53: {  	_ =	shalt  }
0x54: {  	_ =	shalt  }
0x55: {  	_ =	shalt  }
0x56: {  	_ =	shalt  }
0x57: {  	_ =	shalt  }
0x58: {  	_ =	shalt  }
0x59: {  	_ =	shalt  }
0x5a: {  	_ =	shalt  }
0x5b: {  	_ =	shalt  }
0x5c: {  	_ =	shalt  }
0x5d: {  	_ =	shalt  }
0x5e: {  	_ =	shalt  }
0x5f: {  	_ =	shalt  }
0x60: {  	_ =	shalt  }
0x61: {  	_ =	shalt  }
0x62: {  	_ =	shalt  }
0x63: {  	_ =	shalt  }
0x64: {  	_ =	shalt  }
0x65: {  	_ =	shalt  }
0x66: {  	_ =	shalt  }
0x67: {  	_ =	shalt  }
0x68: {  	_ =	shalt  }
0x69: {  	_ =	shalt  }
0x6a: {  	_ =	shalt  }
0x6b: {  	_ =	shalt  }
0x6c: {  	_ =	shalt  }
0x6d: {  	_ =	shalt  }
0x6e: {  	_ =	shalt  }
0x6f: {  	_ =	shalt  }
0x70: {  	_ =	shalt  }
0x71: {  	_ =	shalt  }
0x72: {  	_ =	shalt  }
0x73: {  	_ =	shalt  }
0x74: {  	_ =	shalt  }
0x75: {  	_ =	shalt  }
0x76: {  	_ =	shalt  }
0x77: {  	_ =	shalt  }
0x78: {  	_ =	shalt  }
0x79: {  	_ =	shalt  }
0x7a: {  	_ =	shalt  }
0x7b: {  	_ =	shalt  }
0x7c: {  	_ =	shalt  }
0x7d: {  	_ =	shalt  }
0x7e: {  	_ =	shalt  }
0x7f: {  	_ =	shalt  }
0x80: {  	_ =	shalt  }
0x81: {  	_ =	shalt  }
0x82: {  	_ =	shalt  }
0x83: {  	_ =	shalt  }
0x84: {  	_ =	shalt  }
0x85: {  	_ =	shalt  }
0x86: {  	_ =	shalt  }
0x87: {  	_ =	shalt  }
.Lfunc_end0:
.L_simem_size_0:
called_computation_lowered:
.L_overlay_start_0:
0x88: {  	s2 =	sld [smem:$0x3FD9]  }
0x89: {  	s3 =	sld [smem:$0x3FFE];
	_ =	sdelay $0x1  }
0x8a: {  	s1 =	srdreg.scid  }
0x8b: {  	s0 =	sand.u32 $0x1, s1  }
0x8c: {  	s17 =	sshll.u32 s0, $0xA;
	s2 =	sadd.s32 s3, s2  }
0x8d: {  	s2 =	sadd.s32 s2, s17  }
0x8e: {  	[smem:$0x3FC4] =	sst s2  }
0x8f: {  	_ = 	snop  }
0x90: {  	s2 =	sld [smem:$0x3FC6];
	(tm) =	ssettm $0x1  }
0x91: {  	s18 =	sld [smem:$0x3FFB];
	_ =	sdelay $0x3  }
0x92: {  	_ =	strace s18  }
0x93: {  	s3 =	sld [smem:$0x3FFC];
	_ =	sdelay $0x3  }
0x94: {  	_ =	strace s3  }
0x95: {  	s3 =	sld [smem:$0x3FFD];
	_ =	sdelay $0x3  }
0x96: {  	_ =	strace s3  }
0x97: {  	_ =	strace $0x8FFFFFFF  }
0x98: {  	s19 =	sld [smem:$0x3FDB];
	_ =	sdelay $0x1  }
0x99: {  	s4 =	simm.s32 $_scs_section_size  }
0x9a: {  	s5 =	simm.s32 $_size__tile_overlayer_lowered;
	s6 =	simm.s32 $_tile_overlayer_lowered  }
0x9b: {  	s22 =	simm.s32 $0x1BFF;
	s21 =	sshll.u32 s6, $0x1;
	s3 =	sadd.s32 s4, s19  }
0x9c: {  	s7 =	simm.s32 $0x0;
	s20 =	sshll.u32 s5, $0x1;
	s5 =	sadd.s32 s21, s3  }
0x9d: {  	[timem:s7], [sflag:s22] =	dma.local [hbm:s5], s20  }
0x9e: {  	_ =	swait.ge [sflag:s22], s20  }
0x9f: {  	s4 =	ssub.s32 $0x0, s20;
	[sflag:s22] =	ssyncset.done $0x0  }
0xa0: {  	[sflag:s22] =	ssyncadd.s32 s4;
	_ =	sdelay $0x1  }
0xa1: {  	s23 =	simm.s32 $0x1B8B  }
0xa2: {  	_ =	swait.ge [sflag:s23], $0x1  }
0xa3: {  	[sflag:s23] =	ssyncset.done $0x0  }
0xa4: {  	s25 =	simm.s32 $0x1B8E;
	s24 =	sld [smem:$0x3FFE];
	[sflag:s23] =	ssyncadd.s32 $0xFFFFFFFF  }
0xa5: {  	s26 =	simm.s32 $execute0_lowered;
	[smem:$0x3FD2] =	sst s25  }
0xa6: {  	s5 =	sshll.u32 s26, $0x1;
	_ =	strace $0x80000046;
	[dreg:$0x1] =	wrdreg $0xFFFFFFFF  }
0xa7: {  	s28 =	simm.s32 $_size_execute0_lowered;
	s3 =	sadd.s32 s3, s5;
	[dreg:$0x0] =	wrdreg $0x0  }
0xa8: {  	s5 =	sshll.u32 s28, $0x1;
	[dreg:$0x2] =	wrdreg s3  }
0xa9: {  	[dreg:$0x3] =	wrdreg s5  }
0xaa: {  	[dreg:$0x4] =	wrdreg $0xC0  }
0xab: {  	_ =	task [dreg:s7], $0x5FFFF  }
0xac: {  	[dreg:$0x1] =	wrdreg $0xFFFFFFFF  }
0xad: {  	[dreg:$0x0] =	wrdreg $0x60  }
0xae: {  	[dreg:$0x2] =	wrdreg s2  }
0xaf: {  	[dreg:$0x3] =	wrdreg s24  }
0xb0: {  	[dreg:$0x4] =	wrdreg $0x9  }
0xb1: {  	_ =	task.clear_ibuf [dreg:s7], $0x5FFFF;
	_ =	strace $0x90000046  }
0xb2: {  	s29 =	simm.s32 $0x9;
	_ =	strace $0x80000048  }
0xb3: {  	_ =	swait.ge [sflag:s29], $0x1  }
0xb4: {  	[sflag:s29] =	ssyncadd.s32 $0xFFFFFFFF  }
0xb5: {  	_ =	strace $0x90000048  }
0xb6: {  	_ =	sfence  }
0xb7: {  	s30 =	sld [smem:$0x0];
	_ =	sdelay $0x2  }
0xb8: {  	s31 =	sshll.u32 s1, $0xD;
	s1 =	sshrl.u32 s1, $0x2  }
0xb9: {  	s3 =	sand.u32 $0x4000, s31;
	s1 =	sadd.s32 s1, s30  }
0xba: {  	s0 =	sor.u32 s3, s0;
	s1 =	sshll.u32 s1, $0x11  }
0xbb: {  	s0 =	sor.u32 s1, s0  }
0xbc: {  	s0 =	sadd.s32 $0x8F2B, s0  }
0xbd: {  	[sflag:s0] =	ssyncadd.remote.s32 $0x1  }
0xbe: {  	_ =	sfence.sel $0xFFFF  }
0xbf: {  	[dreg:$0x0] =	wrdreg $0xFFFFFFFF;
	(pc) =	sbr.abs _section_cstart, $3  }
0xc0: {  	[dreg:$0x1] =	wrdreg $0xFFFFFFFF  }
0xc1: {  	_ =	task.clear_ibuf [dreg:s7], $0x2FFFF;
	_ =	strace $0x9FFFFFFF  }
0xc2: {  	(tm) =	ssettm $0x7FFFFFFF  }
0xc3: {  	_ =	shalt  }
tec
execute0_lowered:
.L_overlay_start_1:
0x0: {  	(tag) =	ssettag $0x1  }
0x1: {  	s1 =	rddreg [dreg:$0x0]  }
0x2: {  	s4 =	rddreg [dreg:$0x1]  }
0x3: {  	s0 =	rddreg [dreg:$0x2]  }
0x4: {  	s3 =	simm.s32 $0x0;
	s5 =	srdreg.scid;
	s2 =	stileid.u32  }
0x5: {  	s9 =	simm.s32 $0x400;
	s10 =	simm.s32 $0x4400;
	s11 =	simm.s32 $0x1  }
0x6: {  	s12 =	simm.s32 $0x2;
	s13 =	simm.s32 $0x8400;
	s14 =	simm.s32 $0x0  }
0x7: {  	[smem:$0x7FF] =	sst s3;
	s5 =	sand.u32 $0x1, s5;
	s6 =	sshll.u32 s2, $0x1  }
.Ltmp0:
0x8: {  	_ =	strace $0x80000047;
	s6 =	sor.u32 s5, s6;
	(pc) =	sbr.rel .LBB2_1-.Ltmp0, $4  }
0x9: {  	s5 =	ssub.s32 $0x2, s5;
	s7 =	sshll.u32 s6, $0x7;
	s6 =	sshll.u32 s6, $0xB  }
0xa: {  	s31 =	sshrl.u32 s5, $0x1;
	s7 =	sadd.s32 s7, s4;
	s6 =	sadd.s32 s6, s4  }
0xb: {  	s8 =	ssub.s32 s5, s31;
	s4 =	sadd.s32 $0x600, s7;
	s5 =	sadd.s32 $0x1600, s6  }
0xc: {  	v0 =	vimm.f32 $0.0e+00;
	s6 =	smax.u32 s8, $0x1;
	s7 =	simm.s32 $0x3;
	s8 =	simm.s32 $0x80  }
.LBB2_8:
0xd: {  	s14 =	sadd.s32 $0x1, s14  }
0xe: {  	p0 =	sne.s32 s14, s6  }
.Ltmp1:
0xf: {  	_ = 	snop;
	(pc) =	sbr.rel @!p0 .LBB2_9-.Ltmp1, $4  }
0x10: {  	[hbm4b:s5+s3] =	stream.linear.scatter [tilespmem:s13], [sflag:$0x3], $0x4000, $0x38;
	[tilespmem:$0xC400] =	vst v63  }
0x11: {  	_ =	swait.ge [sflag:s7], $0x4000  }
0x12: {  	[sflag:s7] =	ssyncset.done $0x0  }
0x13: {  	[sflag:s7] =	ssyncadd.s32 $0xFFFFC000  }
.LBB2_1:
0x14: {  	[tilespmem:s3], [sflag:$0x3] =	stream.linear.gather [hbm4b:s4+s3], $0x400, $0x38;
	[tilespmem:$0xC400] =	vst v63  }
0x15: {  	_ =	swait.ge [sflag:s7], $0x400  }
0x16: {  	[sflag:s7] =	ssyncset.done $0x0  }
0x17: {  	[sflag:s7] =	ssyncadd.s32 $0xFFFFFC00  }
0x18: {  	[tilespmem:s9], [sflag:$0x1] =	stream.indirect.gather [hbm4b:s1+s8], $0x80, s3, s8, $0xb8;
	[tilespmem:$0xC400] =	vst v63  }
0x19: {  	s15 =	simm.s32 $0x8470;
	s16 =	simm.s32 $0x8C70;
	s17 =	simm.s32 $0x0  }
0x1a: {  	[tilespmem:s10], [sflag:$0x2] =	stream.indirect.gather [hbm4b:s1+s8], $0x80, s8, s8, $0xb8;
	[tilespmem:$0xC400] =	vst v63  }
.LBB2_2:
0x1b: {  	_ =	swait.ge [sflag:s11], $0x4000  }
0x1c: {  	[sflag:s11] =	ssyncset.done $0x0  }
0x1d: {  	s18 =	simm.s32 $0x600;
	[sflag:s11] =	ssyncadd.s32 $0xFFFFC000  }
0x1e: {  	v4 =	vld [tilespmem:s18+$0xE0]  }
0x1f: {  	v6 =	vld [tilespmem:s18+$0x60]  }
0x20: {  	v7 =	vld [tilespmem:s18+$0xD0]  }
0x21: {  	v9 =	vld [tilespmem:s18+$0xFFFFFFA0]  }
0x22: {  	v1 =	vld [tilespmem:s18+$0x1F0]  }
0x23: {  	v2 =	vld [tilespmem:s18+$0x170]  }
0x24: {  	v3 =	vld [tilespmem:s18+$0x1E0]  }
0x25: {  	v10 =	vld [tilespmem:s18+$0x160]  }
0x26: {  	v11 =	vld [tilespmem:s18+$0x1D0]  }
0x27: {  	v12 =	vld [tilespmem:s18+$0x150]  }
0x28: {  	v13 =	vld [tilespmem:s18+$0x1C0]  }
0x29: {  	v14 =	vld [tilespmem:s18+$0x140]  }
0x2a: {  	v15 =	vld [tilespmem:s18+$0x1B0]  }
0x2b: {  	v16 =	vld [tilespmem:s18+$0x130]  }
0x2c: {  	v17 =	vld [tilespmem:s18+$0x1A0]  }
0x2d: {  	v18 =	vld [tilespmem:s18+$0x120]  }
0x2e: {  	v19 =	vld [tilespmem:s18+$0xC0]  }
0x2f: {  	v20 =	vld [tilespmem:s18+$0x40]  }
0x30: {  	v21 =	vld [tilespmem:s18+$0xFFFFFEA0]  }
0x31: {  	v22 =	vld [tilespmem:s18+$0x180]  }
0x32: {  	v23 =	vld [tilespmem:s18+$0x100]  }
0x33: {  	v24 =	vld [tilespmem:s18+$0x190]  }
0x34: {  	v25 =	vld [tilespmem:s18+$0x110]  }
0x35: {  	v26 =	vld [tilespmem:s18+$0xA0]  }
0x36: {  	v27 =	vld [tilespmem:s18+$0x20]  }
0x37: {  	v28 =	vld [tilespmem:s18+$0xFFFFFE90]  }
0x38: {  	v29 =	vld [tilespmem:s18+$0xFFFFFE10]  }
0x39: {  	v30 =	vld [tilespmem:s18+$0x90]  }
0x3a: {  	v32 =	vld [tilespmem:s18+$0x10]  }
0x3b: {  	v45 =	vld [tilespmem:s18+$0xFFFFFE00]  }
0x3c: {  	v35 =	vld [tilespmem:s18+$0xFFFFFE80]  }
0x3d: {  	v36 =	vld [tilespmem:s18+$0xFFFFFE20];
	v22 =	vadd.f32 v22, v23  }
0x3e: {  	v38 =	vld [tilespmem:s18+$0xFFFFFF20];
	v23 =	vadd.f32 v24, v25;
	v17 =	vadd.f32 v17, v18  }
0x3f: {  	v51 =	vld [tilespmem:s18+$0x50];
	v2 =	vadd.f32 v1, v2;
	v33 =	vadd.f32 v15, v16  }
0x40: {  	v24 =	vld [tilespmem:s18+$0xB0];
	v3 =	vadd.f32 v3, v10;
	v44 =	vadd.f32 v13, v14  }
0x41: {  	v15 =	vld [tilespmem:s18+$0x80];
	v14 =	vadd.f32 v19, v20;
	v28 =	vadd.f32 v28, v29  }
0x42: {  	v10 =	vld [tilespmem:s18+$0x0];
	v26 =	vadd.f32 v26, v27;
	v37 =	vadd.f32 v4, v6  }
0x43: {  	v25 =	vld [tilespmem:s18+$0x30];
	v50 =	vadd.f32 v35, v45;
	v18 =	vmul.f32 v22, v22;
	v31 =	vmul.f32 v23, v23  }
0x44: {  	v19 =	vld [tilespmem:s18+$0xFFFFFF10];
	v21 =	vadd.f32 v21, v36;
	v9 =	vadd.f32 v9, v38  }
0x45: {  	v16 =	vmul.f32 v17, v17;
	v1 =	vadd.f32 v31, v18;
	v18 =	vadd.f32 v11, v12;
	v11 =	vld [tilespmem:s18+$0xFFFFFF90]  }
0x46: {  	v7 =	vadd.f32 v7, v51;
	v13 =	vmul.f32 v33, v33;
	v20 =	vmul.f32 v2, v2  }
0x47: {  	v34 =	vmul.f32 v3, v3;
	v10 =	vadd.f32 v15, v10;
	v12 =	vadd.f32 v16, v1  }
0x48: {  	v27 =	vmul.f32 v14, v14;
	v16 =	vadd.f32 v24, v25;
	v25 =	vadd.f32 v30, v32  }
0x49: {  	v8 =	vld [tilespmem:s18+$0xFFFFFEB0];
	v6 =	vmul.f32 v28, v28;
	v12 =	vadd.f32 v13, v12;
	v13 =	vmul.f32 v44, v44  }
0x4a: {  	v24 =	vld [tilespmem:s18+$0xFFFFFF80];
	v47 =	vmul.f32 v10, v10;
	v11 =	vadd.f32 v11, v19;
	v19 =	vmul.f32 v25, v25  }
0x4b: {  	v52 =	vmul.f32 v50, v50;
	v46 =	vmul.f32 v18, v18;
	v12 =	vadd.f32 v13, v12;
	v13 =	vld [tilespmem:s18+$0xFFFFFF00]  }
0x4c: {  	v49 =	vld [tilespmem:s18+$0xFFFFFE30];
	v4 =	vmul.f32 v26, v26;
	v26 =	vmul.f32 v26, v21;
	v19 =	vadd.f32 v19, v47  }
0x4d: {  	v5 =	vld [tilespmem:s18+$0xFFFFFEE0];
	v6 =	vadd.f32 v6, v52;
	v10 =	vmul.f32 v10, v50;
	v12 =	vadd.f32 v46, v12  }
0x4e: {  	v53 =	vld [tilespmem:s18+$0xFFFFFF30];
	v15 =	vmul.f32 v16, v16;
	v25 =	vmul.f32 v25, v28;
	v19 =	vadd.f32 v4, v19  }
0x4f: {  	v54 =	vld [tilespmem:s18+$0xFFFFFE40];
	v48 =	vmul.f32 v11, v28;
	v23 =	vmul.f32 v23, v11;
	v12 =	vadd.f32 v34, v12  }
0x50: {  	v55 =	vld [tilespmem:s18+$0xFFFFFFC0];
	v11 =	vmul.f32 v11, v11;
	v13 =	vadd.f32 v24, v13;
	v15 =	vadd.f32 v15, v19  }
0x51: {  	v28 =	vadd.f32 v8, v49;
	v19 =	vmul.f32 v21, v21;
	v4 =	vadd.f32 v20, v12;
	v20 =	vld [tilespmem:s18+$0xFFFFFEC0]  }
0x52: {  	v56 =	vld [tilespmem:s18+$0xFFFFFED0];
	v10 =	vadd.f32 v25, v10;
	v12 =	vmul.f32 v13, v13;
	v15 =	vadd.f32 v27, v15  }
0x53: {  	v6 =	vadd.f32 v19, v6;
	v19 =	vmul.f32 v9, v21;
	v21 =	vld [tilespmem:s18+$0xFFFFFF40];
	v27 =	vmul.f32 v7, v7  }
0x54: {  	v58 =	vmul.f32 v28, v28;
	v8 =	vadd.f32 v11, v12;
	v12 =	vmul.f32 v22, v13;
	v22 =	vld [tilespmem:s18+$0xFFFFFE50]  }
0x55: {  	v57 =	vld [tilespmem:s18+$0xFFFFFE60];
	v26 =	vadd.f32 v26, v10;
	v11 =	vmul.f32 v13, v50;
	v15 =	vadd.f32 v27, v15  }
0x56: {  	v24 =	vld [tilespmem:s18+$0xFFFFFFB0];
	v13 =	vmul.f32 v9, v9;
	v6 =	vadd.f32 v58, v6;
	v20 =	vadd.f32 v20, v54  }
0x57: {  	v11 =	vadd.f32 v48, v11;
	v23 =	vadd.f32 v23, v12  }
0x58: {  	v25 =	vld [tilespmem:s18+$0xFFFFFF50];
	v8 =	vadd.f32 v13, v8;
	v21 =	vadd.f32 v55, v21;
	v27 =	vmul.f32 v20, v20  }
0x59: {  	v16 =	vmul.f32 v16, v28;
	v12 =	vadd.f32 v19, v11;
	v19 =	vld [tilespmem:s18+$0xFFFFFFD0];
	v13 =	vadd.f32 v56, v22  }
0x5a: {  	v60 =	vmul.f32 v14, v20;
	v22 =	vadd.f32 v27, v6;
	v27 =	vld [tilespmem:s18+$0xFFFFFEF0];
	v6 =	vadd.f32 v5, v57  }
0x5b: {  	v5 =	vmul.f32 v17, v9;
	v17 =	vadd.f32 v24, v53;
	v14 =	vmul.f32 v7, v13;
	v7 =	vld [tilespmem:s18+$0xFFFFFE70]  }
0x5c: {  	v59 =	vld [tilespmem:s18+$0xF0];
	v26 =	vadd.f32 v16, v26;
	v11 =	vmul.f32 v37, v37;
	v24 =	vmul.f32 v13, v13  }
0x5d: {  	v61 =	vld [tilespmem:s18+$0xFFFFFFE0];
	v16 =	vmul.f32 v21, v20;
	v23 =	vadd.f32 v5, v23;
	v5 =	vmul.f32 v17, v17  }
0x5e: {  	v11 =	vadd.f32 v11, v15;
	v15 =	vld [tilespmem:s18+$0x70];
	v20 =	vmul.f32 v6, v6;
	v22 =	vadd.f32 v24, v22  }
0x5f: {  	v10 =	vadd.f32 v19, v25;
	v25 =	vld [tilespmem:s18+$0xFFFFFF60];
	v5 =	vadd.f32 v5, v8  }
0x60: {  	v63 =	vmul.f32 v33, v17;
	v8 =	vadd.f32 v27, v7;
	v7 =	vadd.f32 v20, v22;
	v20 =	vld [tilespmem:s18+$0xFFFFFF70]  }
0x61: {  	v1 =	vmov s15;
	v62 =	vmul.f32 v21, v21;
	v9 =	vmul.f32 v44, v21;
	v22 =	vld [tilespmem:s18+$0xFFFFFFF0]  }
0x62: {  	v21 =	vmul.f32 v17, v28;
	v23 =	vadd.f32 v63, v23;
	v19 =	vmul.f32 v10, v10  }
0x63: {  	v15 =	vadd.f32 v59, v15;
	v18 =	vmul.f32 v18, v10;
	v24 =	vadd.f32 v62, v5  }
0x64: {  	s19 =	simm.s32 $0x0;
	s20 =	simm.s32 $0x200;
	v5 =	vmul.f32 v37, v6;
	v17 =	vadd.f32 v61, v25;
	v25 =	vadd.f32 v60, v26  }
.LBB2_3:
0x65: {  	p0 =	sne.s32 s20, $0x1E00  }
0x66: {  	v19 =	vadd.f32 v19, v24;
	v24 =	vmul.f32 v17, v17;
	v20 =	vadd.f32 v22, v20;
	s18 =	sadd.s32 $0x400, s18;
	s21 =	smov.u32 s20;
	s20 =	sadd.s32 $0x200, s20  }
0x67: {  	v12 =	vadd.f32 v21, v12;
	v21 =	vmul.f32 v8, v8;
	v14 =	vadd.f32 v14, v25  }
0x68: {  	v10 =	vmul.f32 v10, v13;
	v9 =	vadd.f32 v9, v23;
	v13 =	vmul.f32 v20, v20  }
0x69: {  	v12 =	vadd.f32 v16, v12;
	v5 =	vadd.f32 v5, v14;
	v14 =	vmul.f32 v15, v15  }
0x6a: {  	v6 =	vmul.f32 v17, v6;
	v16 =	vadd.f32 v24, v19;
	v9 =	vadd.f32 v18, v9  }
0x6b: {  	v3 =	vmul.f32 v3, v17;
	v7 =	vadd.f32 v21, v7;
	v11 =	vadd.f32 v14, v11  }
0x6c: {  	s22 =	sshra.s32 s19, $0x2;
	s19 =	smov.u32 s21;
	v13 =	vadd.f32 v13, v16;
	v14 =	vmul.f32 v20, v8;
	v8 =	vmul.f32 v15, v8  }
0x6d: {  	v10 =	vadd.f32 v10, v12;
	v3 =	vadd.f32 v3, v9;
	[tilespmem:v1+s22+$0xFFFFFF90 ss:$0x1] =	vst.idx.msk $0xffff, v7  }
0x6e: {  	v2 =	vmul.f32 v2, v20;
	[tilespmem:v1+s22+$0xFFFFFFA0 ss:$0x1] =	vst.idx.msk $0xffff, v13  }
0x6f: {  	v6 =	vadd.f32 v6, v10;
	v5 =	vadd.f32 v8, v5;
	[tilespmem:v1+s22+$0xFFFFFFB0 ss:$0x1] =	vst.idx.msk $0xffff, v11  }
0x70: {  	[tilespmem:v1+s22+$0xFFFFFFC0 ss:$0x1] =	vst.idx.msk $0xffff, v4  }
0x71: {  	v4 =	vadd.f32 v14, v6;
	_ =	sdelay $0x1  }
0x72: {  	v2 =	vadd.f32 v2, v3;
	[tilespmem:v1+s22+$0xFFFFFFD0 ss:$0x1] =	vst.idx.msk $0xffff, v4  }
0x73: {  	[tilespmem:v1+s22+$0xFFFFFFE0 ss:$0x1] =	vst.idx.msk $0xffff, v5  }
0x74: {  	[tilespmem:v1+s22+$0xFFFFFFF0 ss:$0x1] =	vst.idx.msk $0xffff, v2  }
0x75: {  	[tilespmem:v1+s22+$0x0 ss:$0x1] =	vst.idx.msk $0xffff, v0  }
0x76: {  	v6 =	vld [tilespmem:s18+$0xFFFFFEE0]  }
0x77: {  	v2 =	vld [tilespmem:s18+$0xE0]  }
0x78: {  	v3 =	vld [tilespmem:s18+$0x60]  }
0x79: {  	v11 =	vld [tilespmem:s18+$0xD0]  }
0x7a: {  	v12 =	vld [tilespmem:s18+$0xFFFFFEB0]  }
0x7b: {  	v14 =	vld [tilespmem:s18+$0xFFFFFFA0]  }
0x7c: {  	v4 =	vld [tilespmem:s18+$0x1F0]  }
0x7d: {  	v5 =	vadd.f32 v2, v3;
	v2 =	vld [tilespmem:s18+$0x170]  }
0x7e: {  	v3 =	vld [tilespmem:s18+$0x1E0]  }
0x7f: {  	v7 =	vld [tilespmem:s18+$0x160]  }
0x80: {  	v8 =	vld [tilespmem:s18+$0x1D0]  }
0x81: {  	v9 =	vld [tilespmem:s18+$0x150]  }
0x82: {  	v10 =	vld [tilespmem:s18+$0x1C0];
	v2 =	vadd.f32 v4, v2  }
0x83: {  	v4 =	vld [tilespmem:s18+$0x140]  }
0x84: {  	v13 =	vld [tilespmem:s18+$0x1B0];
	v3 =	vadd.f32 v3, v7  }
0x85: {  	v15 =	vld [tilespmem:s18+$0x130]  }
0x86: {  	v16 =	vld [tilespmem:s18+$0x1A0];
	v7 =	vadd.f32 v8, v9  }
0x87: {  	v17 =	vld [tilespmem:s18+$0x120]  }
0x88: {  	v18 =	vld [tilespmem:s18+$0xC0];
	v9 =	vadd.f32 v10, v4  }
0x89: {  	v4 =	vld [tilespmem:s18+$0x40]  }
0x8a: {  	v19 =	vld [tilespmem:s18+$0xFFFFFEA0];
	v8 =	vadd.f32 v13, v15  }
0x8b: {  	v15 =	vld [tilespmem:s18+$0x180]  }
0x8c: {  	v20 =	vld [tilespmem:s18+$0x100];
	v10 =	vadd.f32 v16, v17  }
0x8d: {  	v16 =	vld [tilespmem:s18+$0x190]  }
0x8e: {  	v17 =	vld [tilespmem:s18+$0x110];
	v13 =	vadd.f32 v18, v4  }
0x8f: {  	v4 =	vld [tilespmem:s18+$0xA0]  }
0x90: {  	v18 =	vld [tilespmem:s18+$0x20]  }
0x91: {  	v21 =	vld [tilespmem:s18+$0xFFFFFE90]  }
0x92: {  	v22 =	vld [tilespmem:s18+$0xFFFFFE10]  }
0x93: {  	v15 =	vadd.f32 v15, v20;
	v16 =	vadd.f32 v16, v17;
	v17 =	vld [tilespmem:s18+$0xB0]  }
0x94: {  	v20 =	vld [tilespmem:s18+$0x30]  }
0x95: {  	v23 =	vmul.f32 v15, v15;
	v24 =	vld [tilespmem:s18+$0x90];
	v25 =	vmul.f32 v16, v16  }
0x96: {  	v26 =	vld [tilespmem:s18+$0x10]  }
0x97: {  	v27 =	vld [tilespmem:s18+$0x80];
	v23 =	vadd.f32 v25, v23;
	v25 =	vmul.f32 v10, v10  }
0x98: {  	v28 =	vld [tilespmem:s18+$0x0]  }
0x99: {  	v29 =	vld [tilespmem:s18+$0xFFFFFF90];
	v23 =	vadd.f32 v25, v23;
	v17 =	vadd.f32 v17, v20;
	v20 =	vmul.f32 v8, v8  }
0x9a: {  	v30 =	vmul.f32 v2, v2;
	v25 =	vld [tilespmem:s18+$0xFFFFFF10]  }
0x9b: {  	v31 =	vld [tilespmem:s18+$0xFFFFFF80];
	v24 =	vadd.f32 v24, v26;
	v20 =	vadd.f32 v20, v23;
	v23 =	vmul.f32 v9, v9  }
0x9c: {  	v33 =	vmul.f32 v3, v3;
	v32 =	vmul.f32 v7, v7;
	v26 =	vld [tilespmem:s18+$0xFFFFFE00]  }
0x9d: {  	v34 =	vld [tilespmem:s18+$0xFFFFFE80];
	v27 =	vadd.f32 v27, v28;
	v28 =	vmul.f32 v17, v17;
	v20 =	vadd.f32 v23, v20  }
0x9e: {  	v18 =	vadd.f32 v4, v18;
	v21 =	vadd.f32 v21, v22;
	v22 =	vmul.f32 v13, v13;
	v23 =	vld [tilespmem:s18+$0xFFFFFF00]  }
0x9f: {  	v4 =	vmul.f32 v27, v27;
	v25 =	vadd.f32 v29, v25;
	v29 =	vmul.f32 v24, v24;
	v35 =	vld [tilespmem:s18+$0xFFFFFE20]  }
0xa0: {  	v38 =	vmul.f32 v18, v18;
	v36 =	vmul.f32 v21, v21;
	v20 =	vadd.f32 v32, v20;
	v37 =	vld [tilespmem:s18+$0xFFFFFF20]  }
0xa1: {  	v32 =	vmul.f32 v25, v21;
	v21 =	vmul.f32 v24, v21;
	v4 =	vadd.f32 v29, v4;
	v24 =	vld [tilespmem:s18+$0xFFFFFE30]  }
0xa2: {  	v16 =	vmul.f32 v16, v25;
	v20 =	vadd.f32 v33, v20;
	v26 =	vadd.f32 v34, v26;
	v29 =	vld [tilespmem:s18+$0x50]  }
0xa3: {  	v25 =	vmul.f32 v25, v25;
	v23 =	vadd.f32 v31, v23;
	v31 =	vadd.f32 v38, v4;
	v33 =	vld [tilespmem:s18+$0xFFFFFFB0]  }
0xa4: {  	v4 =	vadd.f32 v30, v20;
	v34 =	vmul.f32 v26, v26;
	v19 =	vadd.f32 v19, v35;
	v35 =	vld [tilespmem:s18+$0xFFFFFF30]  }
0xa5: {  	v20 =	vmul.f32 v23, v23;
	v30 =	vadd.f32 v14, v37;
	v14 =	vadd.f32 v28, v31;
	v28 =	vld [tilespmem:s18+$0xFFFFFEC0]  }
0xa6: {  	v31 =	vadd.f32 v36, v34;
	v34 =	vmul.f32 v19, v19;
	v24 =	vadd.f32 v12, v24;
	v12 =	vld [tilespmem:s18+$0xFFFFFE40]  }
0xa7: {  	v18 =	vmul.f32 v18, v19;
	v20 =	vadd.f32 v25, v20;
	v25 =	vld [tilespmem:s18+$0xFFFFFFC0];
	v29 =	vadd.f32 v11, v29  }
0xa8: {  	v11 =	vmul.f32 v23, v26;
	v26 =	vmul.f32 v27, v26;
	v14 =	vadd.f32 v22, v14;
	v22 =	vld [tilespmem:s18+$0xFFFFFED0]  }
0xa9: {  	v15 =	vmul.f32 v15, v23;
	v23 =	vmul.f32 v30, v30;
	v27 =	vadd.f32 v34, v31;
	v31 =	vld [tilespmem:s18+$0xFFFFFE50]  }
0xaa: {  	v19 =	vmul.f32 v30, v19;
	v11 =	vadd.f32 v32, v11;
	v34 =	vmul.f32 v29, v29;
	v32 =	vld [tilespmem:s18+$0xFFFFFF40]  }
0xab: {  	v15 =	vadd.f32 v16, v15;
	v16 =	vmul.f32 v24, v24;
	v28 =	vadd.f32 v28, v12;
	v36 =	vld [tilespmem:s18+$0xFFFFFE60]  }
0xac: {  	v23 =	vadd.f32 v23, v20;
	v12 =	vadd.f32 v19, v11;
	v11 =	vmul.f32 v5, v5;
	v19 =	vld [tilespmem:s18+$0xFFFFFFD0]  }
0xad: {  	v17 =	vmul.f32 v17, v24;
	v20 =	vadd.f32 v21, v26;
	v14 =	vadd.f32 v34, v14;
	v21 =	vld [tilespmem:s18+$0xFFFFFF50]  }
0xae: {  	v16 =	vadd.f32 v16, v27;
	v26 =	vmul.f32 v28, v28;
	v27 =	vld [tilespmem:s18+$0xF0]  }
0xaf: {  	v34 =	vmul.f32 v13, v28;
	v11 =	vadd.f32 v11, v14;
	v13 =	vadd.f32 v22, v31;
	v31 =	vld [tilespmem:s18+$0x70]  }
0xb0: {  	v22 =	vadd.f32 v25, v32;
	v25 =	vadd.f32 v26, v16  }
0xb1: {  	v16 =	vadd.f32 v18, v20;
	v14 =	vmul.f32 v29, v13;
	v6 =	vadd.f32 v6, v36;
	v18 =	vld [tilespmem:s18+$0xFFFFFEF0]  }
0xb2: {  	v20 =	vmul.f32 v10, v30;
	v9 =	vmul.f32 v9, v22;
	v10 =	vadd.f32 v19, v21;
	v21 =	vld [tilespmem:s18+$0xFFFFFE70]  }
0xb3: {  	v26 =	vadd.f32 v33, v35;
	v29 =	vadd.f32 v17, v16;
	v17 =	vmul.f32 v13, v13;
	v30 =	vld [tilespmem:s18+$0xFFFFFF60]  }
0xb4: {  	v16 =	vmul.f32 v22, v28;
	v32 =	vmul.f32 v6, v6;
	v28 =	vld [tilespmem:s18+$0xFFFFFFE0]  }
0xb5: {  	v33 =	vadd.f32 v20, v15;
	v35 =	vmul.f32 v26, v26;
	v19 =	vmul.f32 v10, v10;
	v20 =	vld [tilespmem:s18+$0xFFFFFF70]  }
.Ltmp2:
0xb6: {  	v36 =	vmul.f32 v22, v22;
	v17 =	vadd.f32 v17, v25;
	v15 =	vadd.f32 v27, v31;
	v22 =	vld [tilespmem:s18+$0xFFFFFFF0];
	(pc) =	sbr.rel @p0 .LBB2_3-.Ltmp2, $4  }
0xb7: {  	v25 =	vmul.f32 v8, v26;
	v23 =	vadd.f32 v35, v23;
	v8 =	vadd.f32 v18, v21  }
0xb8: {  	v21 =	vmul.f32 v26, v24;
	v18 =	vmul.f32 v7, v10;
	v7 =	vadd.f32 v32, v17  }
0xb9: {  	v5 =	vmul.f32 v5, v6;
	v24 =	vadd.f32 v36, v23;
	v17 =	vadd.f32 v28, v30  }
0xba: {  	v23 =	vadd.f32 v25, v33;
	v25 =	vadd.f32 v34, v29  }
0xbb: {  	v19 =	vadd.f32 v19, v24;
	v20 =	vadd.f32 v22, v20  }
0xbc: {  	v22 =	vmul.f32 v17, v17;
	v12 =	vadd.f32 v21, v12;
	v21 =	vmul.f32 v8, v8  }
0xbd: {  	v10 =	vmul.f32 v10, v13;
	v6 =	vmul.f32 v17, v6;
	v14 =	vadd.f32 v14, v25  }
0xbe: {  	v3 =	vmul.f32 v3, v17;
	v9 =	vadd.f32 v9, v23;
	v12 =	vadd.f32 v16, v12  }
0xbf: {  	v13 =	vmul.f32 v20, v20;
	v16 =	vadd.f32 v22, v19;
	v7 =	vadd.f32 v21, v7  }
0xc0: {  	v5 =	vadd.f32 v5, v14;
	v14 =	vmul.f32 v15, v15;
	v10 =	vadd.f32 v10, v12  }
0xc1: {  	s19 =	sshra.s32 s19, $0x2;
	v9 =	vadd.f32 v18, v9;
	v12 =	vadd.f32 v13, v16;
	v13 =	vmul.f32 v20, v8  }
0xc2: {  	[tilespmem:v1+s19+$0xFFFFFF90 ss:$0x1] =	vst.idx.msk $0xffff, v7;
	v11 =	vadd.f32 v14, v11;
	v6 =	vadd.f32 v6, v10  }
0xc3: {  	v2 =	vmul.f32 v2, v20;
	v7 =	vmul.f32 v15, v8;
	[tilespmem:v1+s19+$0xFFFFFFA0 ss:$0x1] =	vst.idx.msk $0xffff, v12  }
0xc4: {  	v3 =	vadd.f32 v3, v9;
	[tilespmem:v1+s19+$0xFFFFFFB0 ss:$0x1] =	vst.idx.msk $0xffff, v11;
	v6 =	vadd.f32 v13, v6  }
0xc5: {  	v5 =	vadd.f32 v7, v5;
	[tilespmem:v1+s19+$0xFFFFFFC0 ss:$0x1] =	vst.idx.msk $0xffff, v4  }
0xc6: {  	v2 =	vadd.f32 v2, v3;
	[tilespmem:v1+s19+$0xFFFFFFD0 ss:$0x1] =	vst.idx.msk $0xffff, v6  }
0xc7: {  	s18 =	sshll.u32 s17, $0xA;
	p0 =	seq.s32 s17, $0x3;
	[tilespmem:v1+s19+$0xFFFFFFE0 ss:$0x1] =	vst.idx.msk $0xffff, v5  }
0xc8: {  	s20 =	sshrl.u32 @!p0 s18, $0x2;
	[tilespmem:v1+s19+$0xFFFFFFF0 ss:$0x1] =	vst.idx.msk $0xffff, v2  }
0xc9: {  	s21 =	simm.s32 @!p0 $0x400;
	[tilespmem:v1+s19+$0x0 ss:$0x1] =	vst.idx.msk $0xffff, v0;
	s19 =	sadd.s32 @!p0 $0x100, s20;
	s20 =	simm.s32 @!p0 $0x80  }
0xca: {  	[tilespmem:s21], [sflag:$0x1] =	stream.indirect.gather @!p0 [hbm4b:s1+s20], $0x80, s19, s20, $0xb8;
	[tilespmem:$0xC400] =	vst v63  }
0xcb: {  	_ =	swait.ge [sflag:s12], $0x4000  }
0xcc: {  	[sflag:s12] =	ssyncset.done $0x0  }
0xcd: {  	s19 =	simm.s32 $0x4600;
	[sflag:s12] =	ssyncadd.s32 $0xFFFFC000  }
0xce: {  	v4 =	vld [tilespmem:s19+$0xE0]  }
0xcf: {  	v6 =	vld [tilespmem:s19+$0x60]  }
0xd0: {  	v7 =	vld [tilespmem:s19+$0xD0]  }
0xd1: {  	v9 =	vld [tilespmem:s19+$0xFFFFFFA0]  }
0xd2: {  	v1 =	vld [tilespmem:s19+$0x1F0]  }
0xd3: {  	v2 =	vld [tilespmem:s19+$0x170]  }
0xd4: {  	v3 =	vld [tilespmem:s19+$0x1E0]  }
0xd5: {  	v10 =	vld [tilespmem:s19+$0x160]  }
0xd6: {  	v11 =	vld [tilespmem:s19+$0x1D0]  }
0xd7: {  	v12 =	vld [tilespmem:s19+$0x150]  }
0xd8: {  	v13 =	vld [tilespmem:s19+$0x1C0]  }
0xd9: {  	v14 =	vld [tilespmem:s19+$0x140]  }
0xda: {  	v15 =	vld [tilespmem:s19+$0x1B0]  }
0xdb: {  	v16 =	vld [tilespmem:s19+$0x130]  }
0xdc: {  	v17 =	vld [tilespmem:s19+$0x1A0]  }
0xdd: {  	v18 =	vld [tilespmem:s19+$0x120]  }
0xde: {  	v19 =	vld [tilespmem:s19+$0xC0]  }
0xdf: {  	v20 =	vld [tilespmem:s19+$0x40]  }
0xe0: {  	v21 =	vld [tilespmem:s19+$0xFFFFFEA0]  }
0xe1: {  	v22 =	vld [tilespmem:s19+$0x180]  }
0xe2: {  	v23 =	vld [tilespmem:s19+$0x100]  }
0xe3: {  	v24 =	vld [tilespmem:s19+$0x190]  }
0xe4: {  	v25 =	vld [tilespmem:s19+$0x110]  }
0xe5: {  	v26 =	vld [tilespmem:s19+$0xA0]  }
0xe6: {  	v27 =	vld [tilespmem:s19+$0x20]  }
0xe7: {  	v28 =	vld [tilespmem:s19+$0xFFFFFE90]  }
0xe8: {  	v29 =	vld [tilespmem:s19+$0xFFFFFE10]  }
0xe9: {  	v30 =	vld [tilespmem:s19+$0x90]  }
0xea: {  	v32 =	vld [tilespmem:s19+$0x10]  }
0xeb: {  	v45 =	vld [tilespmem:s19+$0xFFFFFE00]  }
0xec: {  	v35 =	vld [tilespmem:s19+$0xFFFFFE80]  }
0xed: {  	v36 =	vld [tilespmem:s19+$0xFFFFFE20];
	v22 =	vadd.f32 v22, v23  }
0xee: {  	v38 =	vld [tilespmem:s19+$0xFFFFFF20];
	v23 =	vadd.f32 v24, v25;
	v17 =	vadd.f32 v17, v18  }
0xef: {  	v51 =	vld [tilespmem:s19+$0x50];
	v2 =	vadd.f32 v1, v2;
	v33 =	vadd.f32 v15, v16  }
0xf0: {  	v24 =	vld [tilespmem:s19+$0xB0];
	v3 =	vadd.f32 v3, v10;
	v44 =	vadd.f32 v13, v14  }
0xf1: {  	v15 =	vld [tilespmem:s19+$0x80];
	v14 =	vadd.f32 v19, v20;
	v28 =	vadd.f32 v28, v29  }
0xf2: {  	v10 =	vld [tilespmem:s19+$0x0];
	v26 =	vadd.f32 v26, v27;
	v37 =	vadd.f32 v4, v6  }
0xf3: {  	v25 =	vld [tilespmem:s19+$0x30];
	v50 =	vadd.f32 v35, v45;
	v18 =	vmul.f32 v22, v22;
	v31 =	vmul.f32 v23, v23  }
0xf4: {  	v19 =	vld [tilespmem:s19+$0xFFFFFF10];
	v21 =	vadd.f32 v21, v36;
	v9 =	vadd.f32 v9, v38  }
0xf5: {  	v16 =	vmul.f32 v17, v17;
	v1 =	vadd.f32 v31, v18;
	v18 =	vadd.f32 v11, v12;
	v11 =	vld [tilespmem:s19+$0xFFFFFF90]  }
0xf6: {  	v7 =	vadd.f32 v7, v51;
	v13 =	vmul.f32 v33, v33;
	v20 =	vmul.f32 v2, v2  }
0xf7: {  	v34 =	vmul.f32 v3, v3;
	v10 =	vadd.f32 v15, v10;
	v12 =	vadd.f32 v16, v1  }
0xf8: {  	v27 =	vmul.f32 v14, v14;
	v16 =	vadd.f32 v24, v25;
	v25 =	vadd.f32 v30, v32  }
0xf9: {  	v8 =	vld [tilespmem:s19+$0xFFFFFEB0];
	v6 =	vmul.f32 v28, v28;
	v12 =	vadd.f32 v13, v12;
	v13 =	vmul.f32 v44, v44  }
0xfa: {  	v24 =	vld [tilespmem:s19+$0xFFFFFF80];
	v47 =	vmul.f32 v10, v10;
	v11 =	vadd.f32 v11, v19;
	v19 =	vmul.f32 v25, v25  }
0xfb: {  	v52 =	vmul.f32 v50, v50;
	v46 =	vmul.f32 v18, v18;
	v12 =	vadd.f32 v13, v12;
	v13 =	vld [tilespmem:s19+$0xFFFFFF00]  }
0xfc: {  	v49 =	vld [tilespmem:s19+$0xFFFFFE30];
	v4 =	vmul.f32 v26, v26;
	v26 =	vmul.f32 v26, v21;
	v19 =	vadd.f32 v19, v47  }
0xfd: {  	v5 =	vld [tilespmem:s19+$0xFFFFFEE0];
	v6 =	vadd.f32 v6, v52;
	v10 =	vmul.f32 v10, v50;
	v12 =	vadd.f32 v46, v12  }
0xfe: {  	v53 =	vld [tilespmem:s19+$0xFFFFFF30];
	v15 =	vmul.f32 v16, v16;
	v25 =	vmul.f32 v25, v28;
	v19 =	vadd.f32 v4, v19  }
0xff: {  	v54 =	vld [tilespmem:s19+$0xFFFFFE40];
	v48 =	vmul.f32 v11, v28;
	v23 =	vmul.f32 v23, v11;
	v12 =	vadd.f32 v34, v12  }
0x100: {  	v55 =	vld [tilespmem:s19+$0xFFFFFFC0];
	v11 =	vmul.f32 v11, v11;
	v13 =	vadd.f32 v24, v13;
	v15 =	vadd.f32 v15, v19  }
0x101: {  	v28 =	vadd.f32 v8, v49;
	v19 =	vmul.f32 v21, v21;
	v4 =	vadd.f32 v20, v12;
	v20 =	vld [tilespmem:s19+$0xFFFFFEC0]  }
0x102: {  	v56 =	vld [tilespmem:s19+$0xFFFFFED0];
	v10 =	vadd.f32 v25, v10;
	v12 =	vmul.f32 v13, v13;
	v15 =	vadd.f32 v27, v15  }
0x103: {  	v6 =	vadd.f32 v19, v6;
	v19 =	vmul.f32 v9, v21;
	v21 =	vld [tilespmem:s19+$0xFFFFFF40];
	v27 =	vmul.f32 v7, v7  }
0x104: {  	v58 =	vmul.f32 v28, v28;
	v8 =	vadd.f32 v11, v12;
	v12 =	vmul.f32 v22, v13;
	v22 =	vld [tilespmem:s19+$0xFFFFFE50]  }
0x105: {  	v57 =	vld [tilespmem:s19+$0xFFFFFE60];
	v26 =	vadd.f32 v26, v10;
	v11 =	vmul.f32 v13, v50;
	v15 =	vadd.f32 v27, v15  }
0x106: {  	v24 =	vld [tilespmem:s19+$0xFFFFFFB0];
	v13 =	vmul.f32 v9, v9;
	v6 =	vadd.f32 v58, v6;
	v20 =	vadd.f32 v20, v54  }
0x107: {  	v11 =	vadd.f32 v48, v11;
	v23 =	vadd.f32 v23, v12  }
0x108: {  	v25 =	vld [tilespmem:s19+$0xFFFFFF50];
	v8 =	vadd.f32 v13, v8;
	v21 =	vadd.f32 v55, v21;
	v27 =	vmul.f32 v20, v20  }
0x109: {  	v16 =	vmul.f32 v16, v28;
	v12 =	vadd.f32 v19, v11;
	v19 =	vld [tilespmem:s19+$0xFFFFFFD0];
	v13 =	vadd.f32 v56, v22  }
0x10a: {  	v60 =	vmul.f32 v14, v20;
	v22 =	vadd.f32 v27, v6;
	v27 =	vld [tilespmem:s19+$0xFFFFFEF0];
	v6 =	vadd.f32 v5, v57  }
0x10b: {  	v5 =	vmul.f32 v17, v9;
	v17 =	vadd.f32 v24, v53;
	v14 =	vmul.f32 v7, v13;
	v7 =	vld [tilespmem:s19+$0xFFFFFE70]  }
0x10c: {  	v59 =	vld [tilespmem:s19+$0xF0];
	v26 =	vadd.f32 v16, v26;
	v11 =	vmul.f32 v37, v37;
	v24 =	vmul.f32 v13, v13  }
0x10d: {  	v61 =	vld [tilespmem:s19+$0xFFFFFFE0];
	v16 =	vmul.f32 v21, v20;
	v23 =	vadd.f32 v5, v23;
	v5 =	vmul.f32 v17, v17  }
0x10e: {  	v11 =	vadd.f32 v11, v15;
	v15 =	vld [tilespmem:s19+$0x70];
	v20 =	vmul.f32 v6, v6;
	v22 =	vadd.f32 v24, v22  }
0x10f: {  	v10 =	vadd.f32 v19, v25;
	v25 =	vld [tilespmem:s19+$0xFFFFFF60];
	v5 =	vadd.f32 v5, v8  }
0x110: {  	v63 =	vmul.f32 v33, v17;
	v8 =	vadd.f32 v27, v7;
	v7 =	vadd.f32 v20, v22;
	v20 =	vld [tilespmem:s19+$0xFFFFFF70]  }
0x111: {  	v1 =	vmov s16;
	v62 =	vmul.f32 v21, v21;
	v9 =	vmul.f32 v44, v21;
	v22 =	vld [tilespmem:s19+$0xFFFFFFF0]  }
0x112: {  	v21 =	vmul.f32 v17, v28;
	v23 =	vadd.f32 v63, v23;
	v19 =	vmul.f32 v10, v10  }
0x113: {  	v15 =	vadd.f32 v59, v15;
	v18 =	vmul.f32 v18, v10;
	v24 =	vadd.f32 v62, v5  }
0x114: {  	s20 =	simm.s32 $0x0;
	s21 =	simm.s32 $0x200;
	v5 =	vmul.f32 v37, v6;
	v17 =	vadd.f32 v61, v25;
	v25 =	vadd.f32 v60, v26  }
.LBB2_5:
0x115: {  	p1 =	sne.s32 s21, $0x1E00  }
0x116: {  	v19 =	vadd.f32 v19, v24;
	v24 =	vmul.f32 v17, v17;
	v20 =	vadd.f32 v22, v20;
	s19 =	sadd.s32 $0x400, s19;
	s22 =	smov.u32 s21;
	s21 =	sadd.s32 $0x200, s21  }
0x117: {  	v12 =	vadd.f32 v21, v12;
	v21 =	vmul.f32 v8, v8;
	v14 =	vadd.f32 v14, v25  }
0x118: {  	v10 =	vmul.f32 v10, v13;
	v9 =	vadd.f32 v9, v23;
	v13 =	vmul.f32 v20, v20  }
0x119: {  	v12 =	vadd.f32 v16, v12;
	v5 =	vadd.f32 v5, v14;
	v14 =	vmul.f32 v15, v15  }
0x11a: {  	v6 =	vmul.f32 v17, v6;
	v16 =	vadd.f32 v24, v19;
	v9 =	vadd.f32 v18, v9  }
0x11b: {  	v3 =	vmul.f32 v3, v17;
	v7 =	vadd.f32 v21, v7;
	v11 =	vadd.f32 v14, v11  }
0x11c: {  	s23 =	sshra.s32 s20, $0x2;
	s20 =	smov.u32 s22;
	v13 =	vadd.f32 v13, v16;
	v14 =	vmul.f32 v20, v8;
	v8 =	vmul.f32 v15, v8  }
0x11d: {  	v10 =	vadd.f32 v10, v12;
	v3 =	vadd.f32 v3, v9;
	[tilespmem:v1+s23+$0xFFFFFF90 ss:$0x1] =	vst.idx.msk $0xffff, v7  }
0x11e: {  	v2 =	vmul.f32 v2, v20;
	[tilespmem:v1+s23+$0xFFFFFFA0 ss:$0x1] =	vst.idx.msk $0xffff, v13  }
0x11f: {  	v6 =	vadd.f32 v6, v10;
	v5 =	vadd.f32 v8, v5;
	[tilespmem:v1+s23+$0xFFFFFFB0 ss:$0x1] =	vst.idx.msk $0xffff, v11  }
0x120: {  	[tilespmem:v1+s23+$0xFFFFFFC0 ss:$0x1] =	vst.idx.msk $0xffff, v4  }
0x121: {  	v4 =	vadd.f32 v14, v6;
	_ =	sdelay $0x1  }
0x122: {  	v2 =	vadd.f32 v2, v3;
	[tilespmem:v1+s23+$0xFFFFFFD0 ss:$0x1] =	vst.idx.msk $0xffff, v4  }
0x123: {  	[tilespmem:v1+s23+$0xFFFFFFE0 ss:$0x1] =	vst.idx.msk $0xffff, v5  }
0x124: {  	[tilespmem:v1+s23+$0xFFFFFFF0 ss:$0x1] =	vst.idx.msk $0xffff, v2  }
0x125: {  	[tilespmem:v1+s23+$0x0 ss:$0x1] =	vst.idx.msk $0xffff, v0  }
0x126: {  	v6 =	vld [tilespmem:s19+$0xFFFFFEE0]  }
0x127: {  	v2 =	vld [tilespmem:s19+$0xE0]  }
0x128: {  	v3 =	vld [tilespmem:s19+$0x60]  }
0x129: {  	v11 =	vld [tilespmem:s19+$0xD0]  }
0x12a: {  	v12 =	vld [tilespmem:s19+$0xFFFFFEB0]  }
0x12b: {  	v14 =	vld [tilespmem:s19+$0xFFFFFFA0]  }
0x12c: {  	v4 =	vld [tilespmem:s19+$0x1F0]  }
0x12d: {  	v5 =	vadd.f32 v2, v3;
	v2 =	vld [tilespmem:s19+$0x170]  }
0x12e: {  	v3 =	vld [tilespmem:s19+$0x1E0]  }
0x12f: {  	v7 =	vld [tilespmem:s19+$0x160]  }
0x130: {  	v8 =	vld [tilespmem:s19+$0x1D0]  }
0x131: {  	v9 =	vld [tilespmem:s19+$0x150]  }
0x132: {  	v10 =	vld [tilespmem:s19+$0x1C0];
	v2 =	vadd.f32 v4, v2  }
0x133: {  	v4 =	vld [tilespmem:s19+$0x140]  }
0x134: {  	v13 =	vld [tilespmem:s19+$0x1B0];
	v3 =	vadd.f32 v3, v7  }
0x135: {  	v15 =	vld [tilespmem:s19+$0x130]  }
0x136: {  	v16 =	vld [tilespmem:s19+$0x1A0];
	v7 =	vadd.f32 v8, v9  }
0x137: {  	v17 =	vld [tilespmem:s19+$0x120]  }
0x138: {  	v18 =	vld [tilespmem:s19+$0xC0];
	v9 =	vadd.f32 v10, v4  }
0x139: {  	v4 =	vld [tilespmem:s19+$0x40]  }
0x13a: {  	v19 =	vld [tilespmem:s19+$0xFFFFFEA0];
	v8 =	vadd.f32 v13, v15  }
0x13b: {  	v15 =	vld [tilespmem:s19+$0x180]  }
0x13c: {  	v20 =	vld [tilespmem:s19+$0x100];
	v10 =	vadd.f32 v16, v17  }
0x13d: {  	v16 =	vld [tilespmem:s19+$0x190]  }
0x13e: {  	v17 =	vld [tilespmem:s19+$0x110];
	v13 =	vadd.f32 v18, v4  }
0x13f: {  	v4 =	vld [tilespmem:s19+$0xA0]  }
0x140: {  	v18 =	vld [tilespmem:s19+$0x20]  }
0x141: {  	v21 =	vld [tilespmem:s19+$0xFFFFFE90]  }
0x142: {  	v22 =	vld [tilespmem:s19+$0xFFFFFE10]  }
0x143: {  	v15 =	vadd.f32 v15, v20;
	v16 =	vadd.f32 v16, v17;
	v17 =	vld [tilespmem:s19+$0xB0]  }
0x144: {  	v20 =	vld [tilespmem:s19+$0x30]  }
0x145: {  	v23 =	vmul.f32 v15, v15;
	v24 =	vld [tilespmem:s19+$0x90];
	v25 =	vmul.f32 v16, v16  }
0x146: {  	v26 =	vld [tilespmem:s19+$0x10]  }
0x147: {  	v27 =	vld [tilespmem:s19+$0x80];
	v23 =	vadd.f32 v25, v23;
	v25 =	vmul.f32 v10, v10  }
0x148: {  	v28 =	vld [tilespmem:s19+$0x0]  }
0x149: {  	v29 =	vld [tilespmem:s19+$0xFFFFFF90];
	v23 =	vadd.f32 v25, v23;
	v17 =	vadd.f32 v17, v20;
	v20 =	vmul.f32 v8, v8  }
0x14a: {  	v30 =	vmul.f32 v2, v2;
	v25 =	vld [tilespmem:s19+$0xFFFFFF10]  }
0x14b: {  	v31 =	vld [tilespmem:s19+$0xFFFFFF80];
	v24 =	vadd.f32 v24, v26;
	v20 =	vadd.f32 v20, v23;
	v23 =	vmul.f32 v9, v9  }
0x14c: {  	v33 =	vmul.f32 v3, v3;
	v32 =	vmul.f32 v7, v7;
	v26 =	vld [tilespmem:s19+$0xFFFFFE00]  }
0x14d: {  	v34 =	vld [tilespmem:s19+$0xFFFFFE80];
	v27 =	vadd.f32 v27, v28;
	v28 =	vmul.f32 v17, v17;
	v20 =	vadd.f32 v23, v20  }
0x14e: {  	v18 =	vadd.f32 v4, v18;
	v21 =	vadd.f32 v21, v22;
	v22 =	vmul.f32 v13, v13;
	v23 =	vld [tilespmem:s19+$0xFFFFFF00]  }
0x14f: {  	v4 =	vmul.f32 v27, v27;
	v25 =	vadd.f32 v29, v25;
	v29 =	vmul.f32 v24, v24;
	v35 =	vld [tilespmem:s19+$0xFFFFFE20]  }
0x150: {  	v38 =	vmul.f32 v18, v18;
	v36 =	vmul.f32 v21, v21;
	v20 =	vadd.f32 v32, v20;
	v37 =	vld [tilespmem:s19+$0xFFFFFF20]  }
0x151: {  	v32 =	vmul.f32 v25, v21;
	v21 =	vmul.f32 v24, v21;
	v4 =	vadd.f32 v29, v4;
	v24 =	vld [tilespmem:s19+$0xFFFFFE30]  }
0x152: {  	v16 =	vmul.f32 v16, v25;
	v20 =	vadd.f32 v33, v20;
	v26 =	vadd.f32 v34, v26;
	v29 =	vld [tilespmem:s19+$0x50]  }
0x153: {  	v25 =	vmul.f32 v25, v25;
	v23 =	vadd.f32 v31, v23;
	v31 =	vadd.f32 v38, v4;
	v33 =	vld [tilespmem:s19+$0xFFFFFFB0]  }
0x154: {  	v4 =	vadd.f32 v30, v20;
	v34 =	vmul.f32 v26, v26;
	v19 =	vadd.f32 v19, v35;
	v35 =	vld [tilespmem:s19+$0xFFFFFF30]  }
0x155: {  	v20 =	vmul.f32 v23, v23;
	v30 =	vadd.f32 v14, v37;
	v14 =	vadd.f32 v28, v31;
	v28 =	vld [tilespmem:s19+$0xFFFFFEC0]  }
0x156: {  	v31 =	vadd.f32 v36, v34;
	v34 =	vmul.f32 v19, v19;
	v24 =	vadd.f32 v12, v24;
	v12 =	vld [tilespmem:s19+$0xFFFFFE40]  }
0x157: {  	v18 =	vmul.f32 v18, v19;
	v20 =	vadd.f32 v25, v20;
	v25 =	vld [tilespmem:s19+$0xFFFFFFC0];
	v29 =	vadd.f32 v11, v29  }
0x158: {  	v11 =	vmul.f32 v23, v26;
	v26 =	vmul.f32 v27, v26;
	v14 =	vadd.f32 v22, v14;
	v22 =	vld [tilespmem:s19+$0xFFFFFED0]  }
0x159: {  	v15 =	vmul.f32 v15, v23;
	v23 =	vmul.f32 v30, v30;
	v27 =	vadd.f32 v34, v31;
	v31 =	vld [tilespmem:s19+$0xFFFFFE50]  }
0x15a: {  	v19 =	vmul.f32 v30, v19;
	v11 =	vadd.f32 v32, v11;
	v34 =	vmul.f32 v29, v29;
	v32 =	vld [tilespmem:s19+$0xFFFFFF40]  }
0x15b: {  	v15 =	vadd.f32 v16, v15;
	v16 =	vmul.f32 v24, v24;
	v28 =	vadd.f32 v28, v12;
	v36 =	vld [tilespmem:s19+$0xFFFFFE60]  }
0x15c: {  	v23 =	vadd.f32 v23, v20;
	v12 =	vadd.f32 v19, v11;
	v11 =	vmul.f32 v5, v5;
	v19 =	vld [tilespmem:s19+$0xFFFFFFD0]  }
0x15d: {  	v17 =	vmul.f32 v17, v24;
	v20 =	vadd.f32 v21, v26;
	v14 =	vadd.f32 v34, v14;
	v21 =	vld [tilespmem:s19+$0xFFFFFF50]  }
0x15e: {  	v16 =	vadd.f32 v16, v27;
	v26 =	vmul.f32 v28, v28;
	v27 =	vld [tilespmem:s19+$0xF0]  }
0x15f: {  	v34 =	vmul.f32 v13, v28;
	v11 =	vadd.f32 v11, v14;
	v13 =	vadd.f32 v22, v31;
	v31 =	vld [tilespmem:s19+$0x70]  }
0x160: {  	v22 =	vadd.f32 v25, v32;
	v25 =	vadd.f32 v26, v16  }
0x161: {  	v16 =	vadd.f32 v18, v20;
	v14 =	vmul.f32 v29, v13;
	v6 =	vadd.f32 v6, v36;
	v18 =	vld [tilespmem:s19+$0xFFFFFEF0]  }
0x162: {  	v20 =	vmul.f32 v10, v30;
	v9 =	vmul.f32 v9, v22;
	v10 =	vadd.f32 v19, v21;
	v21 =	vld [tilespmem:s19+$0xFFFFFE70]  }
0x163: {  	v26 =	vadd.f32 v33, v35;
	v29 =	vadd.f32 v17, v16;
	v17 =	vmul.f32 v13, v13;
	v30 =	vld [tilespmem:s19+$0xFFFFFF60]  }
0x164: {  	v16 =	vmul.f32 v22, v28;
	v32 =	vmul.f32 v6, v6;
	v28 =	vld [tilespmem:s19+$0xFFFFFFE0]  }
0x165: {  	v33 =	vadd.f32 v20, v15;
	v35 =	vmul.f32 v26, v26;
	v19 =	vmul.f32 v10, v10;
	v20 =	vld [tilespmem:s19+$0xFFFFFF70]  }
.Ltmp3:
0x166: {  	v36 =	vmul.f32 v22, v22;
	v17 =	vadd.f32 v17, v25;
	v15 =	vadd.f32 v27, v31;
	v22 =	vld [tilespmem:s19+$0xFFFFFFF0];
	(pc) =	sbr.rel @p1 .LBB2_5-.Ltmp3, $4  }
0x167: {  	v25 =	vmul.f32 v8, v26;
	v23 =	vadd.f32 v35, v23;
	v8 =	vadd.f32 v18, v21  }
0x168: {  	v21 =	vmul.f32 v26, v24;
	v18 =	vmul.f32 v7, v10;
	v7 =	vadd.f32 v32, v17  }
0x169: {  	v5 =	vmul.f32 v5, v6;
	v24 =	vadd.f32 v36, v23;
	v17 =	vadd.f32 v28, v30  }
0x16a: {  	v23 =	vadd.f32 v25, v33;
	v25 =	vadd.f32 v34, v29  }
0x16b: {  	v19 =	vadd.f32 v19, v24;
	v56 =	vmul.f32 v17, v17  }
0x16c: {  	v12 =	vadd.f32 v21, v12;
	v57 =	vmul.f32 v8, v8;
	v10 =	vmul.f32 v10, v13  }
0x16d: {  	v20 =	vadd.f32 v22, v20;
	v59 =	vmul.f32 v15, v15;
	v6 =	vmul.f32 v17, v6  }
0x16e: {  	v3 =	vmul.f32 v3, v17;
	v14 =	vadd.f32 v14, v25;
	v12 =	vadd.f32 v16, v12  }
0x16f: {  	v9 =	vadd.f32 v9, v23;
	v58 =	vmul.f32 v20, v20;
	v60 =	vadd.f32 v56, v19  }
0x170: {  	v63 =	vmul.f32 v15, v8;
	v7 =	vadd.f32 v57, v7;
	v10 =	vadd.f32 v10, v12  }
0x171: {  	s19 =	sshra.s32 s20, $0x2;
	v11 =	vadd.f32 v59, v11;
	v62 =	vmul.f32 v20, v8;
	v61 =	vadd.f32 v58, v60  }
0x172: {  	v9 =	vadd.f32 v18, v9;
	[tilespmem:v1+s19+$0xFFFFFF90 ss:$0x1] =	vst.idx.msk $0xffff, v7;
	v6 =	vadd.f32 v6, v10  }
0x173: {  	v2 =	vmul.f32 v2, v20;
	v5 =	vadd.f32 v5, v14;
	[tilespmem:v1+s19+$0xFFFFFFA0 ss:$0x1] =	vst.idx.msk $0xffff, v61  }
0x174: {  	v3 =	vadd.f32 v3, v9;
	[tilespmem:v1+s19+$0xFFFFFFB0 ss:$0x1] =	vst.idx.msk $0xffff, v11;
	v6 =	vadd.f32 v62, v6  }
.Ltmp4:
0x175: {  	v5 =	vadd.f32 v63, v5;
	[tilespmem:v1+s19+$0xFFFFFFC0 ss:$0x1] =	vst.idx.msk $0xffff, v4;
	(pc) =	sbr.rel @p0 .LBB2_8-.Ltmp4, $4  }
0x176: {  	v2 =	vadd.f32 v2, v3;
	[tilespmem:v1+s19+$0xFFFFFFD0 ss:$0x1] =	vst.idx.msk $0xffff, v6  }
0x177: {  	[tilespmem:v1+s19+$0xFFFFFFE0 ss:$0x1] =	vst.idx.msk $0xffff, v5  }
0x178: {  	[tilespmem:v1+s19+$0xFFFFFFF0 ss:$0x1] =	vst.idx.msk $0xffff, v2  }
0x179: {  	[tilespmem:v1+s19+$0x0 ss:$0x1] =	vst.idx.msk $0xffff, v0  }
.Ltmp5:
0x17a: {  	(pc) =	sbr.rel .LBB2_2-.Ltmp5, $4  }
0x17b: {  	_ = 	snop  }
0x17c: {  	s18 =	sshrl.u32 s18, $0x2;
	s17 =	sadd.s32 $0x1, s17  }
0x17d: {  	s15 =	sadd.s32 $0x1000, s15;
	s16 =	sadd.s32 $0x1000, s16;
	s18 =	sadd.s32 $0x180, s18  }
0x17e: {  	[tilespmem:s10], [sflag:$0x2] =	stream.indirect.gather [hbm4b:s1+s8], $0x80, s18, s8, $0xb8;
	[tilespmem:$0xC400] =	vst v63  }
.LBB2_9:
0x17f: {  	_ =	sfence.sel $0x180000  }
0x180: {  	[bflag:$0x0] =	sbarrier.arrive $0xFFFF  }
0x181: {  	p0 =	sne.s32 s2, $0x0;
	_ =	strace $0x90000047  }
0x182: {  	s0 =	sadd.s32 @!p0 $0x100000, s0;
	[bflag:$0x2] =	sbarrier.arrive $0xFFFF  }
0x183: {  	[sflag:s0] =	ssyncadd.tile.s32 @!p0 $0x1;
	_ =	shalt  }
.Lfunc_end2:
_tile_overlayer_lowered:
.L_overlay_start_2:
0x184: {  	(tag) =	ssettag $0x2  }
0x185: {  	s0 =	rddreg [dreg:$0x0];
	s2 =	stileid.u32  }
0x186: {  	s1 =	rddreg [dreg:$0x1];
	p0 =	sne.s32 s2, $0x0  }
0x187: {  	s3 =	rddreg [dreg:$0x2];
	[bflag:$0x3] =	sbarrier.arrive $0xFFFF;
	s2 =	simm.s32 @!p0 $0x1C03  }
0x188: {  	[timem:s3], [sflag:s2] =	dma.local @!p0 [hbm:s0], s1  }
0x189: {  	s0 =	simm.s32 @!p0 $0x3  }
0x18a: {  	_ =	swait.ge @!p0 [sflag:s0], s1  }
0x18b: {  	s1 =	ssub.s32 @!p0 $0x0, s1;
	[sflag:s0] =	ssyncset.done @!p0 $0x0  }
0x18c: {  	[sflag:s0] =	ssyncadd.s32 @!p0 s1  }
0x18d: {  	[bflag:$0x3] =	sbarrier.arrive $0xFFFF  }
0x18e: {  	_ =	shalt  }

</sc_bundles>
